<compile_context>
chip_gen: v7x
topology: tpu7x:2x2x1
jax: 0.10.2.dev20260603
libtpu: 0.0.44.dev20260713+nightly
codegen_flags: <defaults>
</compile_context>

<pallas_src>
import functools

import jax
import jax.numpy as jnp
from jax import lax
from jax.experimental import pallas as pl
from jax.experimental.pallas import tpu as pltpu
from jax.experimental.pallas import tpu_sc as plsc

EMBED_DIM = 128
CH = 400
NCH = 16
NBUF = 2
NUM_WORKERS = 32


def _gather_rows(weight, ids_2d, num_ids):
    rows_per_w = num_ids // NUM_WORKERS
    mesh = plsc.VectorSubcoreMesh(
        core_axis_name="core", subcore_axis_name="subcore"
    )

    @functools.partial(
        pl.kernel,
        out_type=jax.ShapeDtypeStruct((num_ids, EMBED_DIM), jnp.float32),
        mesh=mesh,
        scratch_types=[
            pltpu.VMEM((NCH * CH,), jnp.int32),
            pltpu.VMEM((CH, EMBED_DIM), jnp.float32),
            pltpu.VMEM((CH, EMBED_DIM), jnp.float32),
            pltpu.SemaphoreType.DMA,
            pltpu.SemaphoreType.DMA,
            pltpu.SemaphoreType.DMA,
            pltpu.SemaphoreType.DMA,
            pltpu.SemaphoreType.DMA,
        ],
    )
    def gather_kernel(
        w_hbm, i_hbm, o_hbm, idx_v, buf0, buf1, sem_i, sg0, sg1, sw0, sw1
    ):
        wid = lax.axis_index("subcore") * 2 + lax.axis_index("core")
        bufs = (buf0, buf1)
        sem_g = (sg0, sg1)
        sem_w = (sw0, sw1)

        pltpu.async_copy(i_hbm.at[wid], idx_v, sem_i).wait()

        base = wid * rows_per_w

        def gather_copy(g, b):
            return pltpu.make_async_copy(
                w_hbm.at[idx_v.at[pl.ds(g * CH, CH)]], bufs[b], sem_g[b]
            )

        def write_copy(g, b):
            return pltpu.make_async_copy(
                bufs[b], o_hbm.at[pl.ds(base + g * CH, CH)], sem_w[b]
            )

        for b in range(NBUF):
            gather_copy(b, b).start()

        for g in range(NCH - NBUF):
            b = g % NBUF
            gather_copy(g, b).wait()
            write_copy(g, b).start()
            write_copy(g, b).wait()
            gather_copy(g + NBUF, b).start()

        for b in range(NBUF):
            g = NCH - NBUF + b
            gather_copy(g, b).wait()
            write_copy(g, b).start()
        for b in range(NBUF):
            write_copy(NCH - NBUF + b, b).wait()

    return gather_kernel(weight, ids_2d)


def kernel(input_ids, weight):
    batch, seq = input_ids.shape
    num_ids = batch * seq
    ids_2d = input_ids.reshape(NUM_WORKERS, num_ids // NUM_WORKERS).astype(jnp.int32)
    out = _gather_rows(weight, ids_2d, num_ids)
    return out.reshape(batch, seq, EMBED_DIM)

# --- scband reference (transcript-rebuilt; emitter-appended) ---
"""Pipeline reference for scband-token-embedding-72945724555271 (READ-ONLY COPY).

The authoritative reference and input builder live on the scoring server;
editing this copy changes nothing except your own understanding.
"""

import jax, jax.numpy as jnp
import numpy as np

VOCAB_SIZE = 100000
EMBED_DIM = 128
PADDING_IDX = 0


def _xavier_uniform(key, shape):
    fan_in, fan_out = shape[1], shape[0]
    limit = float(np.sqrt(6.0 / (fan_in + fan_out)))
    return jax.random.uniform(key, shape, dtype=jnp.float32, minval=-limit, maxval=limit)


def setup_inputs(seed: int = 0) -> dict:
    key = jax.random.key(seed)
    k_idx, k_w = jax.random.split(key)
    input_ids = jax.random.randint(k_idx, (1024, 200), 0, VOCAB_SIZE, dtype=jnp.int64)
    weight = _xavier_uniform(k_w, (VOCAB_SIZE, EMBED_DIM))
    # padding_idx row zeroed, matching nn.Embedding(padding_idx=0) init
    weight = weight.at[PADDING_IDX].set(0.0)
    return {"input_ids": input_ids, "weight": weight}


def reference(input_ids, weight):
    # Faithful translation of TokenEmbedding.forward: embedding table gather
    token_embeddings = jnp.take(weight, input_ids, axis=0)
    return token_embeddings

if __name__ == "__main__":
    import jax
    _d = setup_inputs()
    print(jax.jit(kernel)(*tuple(_d.values())))

</pallas_src>

<mosaic_0001>
#map = affine_map<(d0, d1) -> (0, 0)>
module attributes {stable_mosaic.version = 14 : i64} {
  func.func @gather_kernel(%arg0: i32, %arg1: i32, %arg2: memref<100000x128xf32, #tpu.memory_space<hbm>>, %arg3: memref<32x6400xi32, #tpu.memory_space<hbm>>, %arg4: memref<204800x128xf32, #tpu.memory_space<hbm>>, %arg5: memref<6400xi32, #tpu.memory_space<vmem>>, %arg6: memref<400x128xf32, #tpu.memory_space<vmem>>, %arg7: memref<400x128xf32, #tpu.memory_space<vmem>>, %arg8: memref<!tpu.dma_semaphore, #tpu.memory_space<semaphore_mem>>, %arg9: memref<!tpu.dma_semaphore, #tpu.memory_space<semaphore_mem>>, %arg10: memref<!tpu.dma_semaphore, #tpu.memory_space<semaphore_mem>>, %arg11: memref<!tpu.dma_semaphore, #tpu.memory_space<semaphore_mem>>, %arg12: memref<!tpu.dma_semaphore, #tpu.memory_space<semaphore_mem>>) attributes {dimension_semantics = [#tpu.dimension_semantics<core_parallel>, #tpu.dimension_semantics<subcore_parallel>], iteration_bounds = array<i64: 2, 16>, scalar_prefetch = 0 : i64, scratch_operands = 8 : i64, tpu.core_type = #tpu.core_type<sc_vector_subcore>, window_params = [{transform_indices = #map}, {transform_indices = #map}, {transform_indices = #map}]} {
    %mul3A = arith.constant 2 : i32
    %mul3A_0 = arith.muli %arg1, %mul3A : i32
    %add3A = arith.addi %mul3A_0, %arg0 : i32
    %dma_start3A = arith.constant 0 : i32
    %dma_start3A_1 = tpu.memref_slice %arg3[%add3A, %dma_start3A] : memref<32x6400xi32, #tpu.memory_space<hbm>> -> memref<1x6400xi32, #tpu.memory_space<hbm>>
    %dma_start3A_2 = tpu.memref_squeeze %dma_start3A_1 : memref<1x6400xi32, #tpu.memory_space<hbm>> -> memref<6400xi32, #tpu.memory_space<hbm>>
    %dma_start3A_3 = arith.constant 0 : i32
    %dma_start3A_4 = tpu.memref_slice %arg3[%add3A, %dma_start3A_3] : memref<32x6400xi32, #tpu.memory_space<hbm>> -> memref<1x6400xi32, #tpu.memory_space<hbm>>
    %dma_start3A_5 = tpu.memref_squeeze %dma_start3A_4 : memref<1x6400xi32, #tpu.memory_space<hbm>> -> memref<6400xi32, #tpu.memory_space<hbm>>
    tpu.enqueue_dma source(%dma_start3A_5 : memref<6400xi32, #tpu.memory_space<hbm>>) target(%arg5 : memref<6400xi32, #tpu.memory_space<vmem>>) target_semaphore(%arg8 : memref<!tpu.dma_semaphore, #tpu.memory_space<semaphore_mem>>)
    %dma_wait3A = arith.constant 0 : i32
    %dma_wait3A_6 = tpu.memref_slice %arg3[%add3A, %dma_wait3A] : memref<32x6400xi32, #tpu.memory_space<hbm>> -> memref<1x6400xi32, #tpu.memory_space<hbm>>
    %dma_wait3A_7 = tpu.memref_squeeze %dma_wait3A_6 : memref<1x6400xi32, #tpu.memory_space<hbm>> -> memref<6400xi32, #tpu.memory_space<hbm>>
    %dma_wait3A_8 = arith.constant 0 : i32
    %dma_wait3A_9 = tpu.memref_slice %arg3[%add3A, %dma_wait3A_8] : memref<32x6400xi32, #tpu.memory_space<hbm>> -> memref<1x6400xi32, #tpu.memory_space<hbm>>
    %dma_wait3A_10 = tpu.memref_squeeze %dma_wait3A_9 : memref<1x6400xi32, #tpu.memory_space<hbm>> -> memref<6400xi32, #tpu.memory_space<hbm>>
    tpu.wait_dma2 semaphore(%arg8 : memref<!tpu.dma_semaphore, #tpu.memory_space<semaphore_mem>>) src(%dma_wait3A_10 : memref<6400xi32, #tpu.memory_space<hbm>>) dst(%arg5 : memref<6400xi32, #tpu.memory_space<vmem>>)
    %mul3A_11 = arith.constant 6400 : i32
    %mul3A_12 = arith.muli %add3A, %mul3A_11 : i32
    %dma_start3A_13 = arith.constant 0 : i32
    %dma_start3A_14 = tpu.memref_slice %arg5[%dma_start3A_13] : memref<6400xi32, #tpu.memory_space<vmem>> -> memref<400xi32, #tpu.memory_space<vmem>>
    %dma_start3A_15 = arith.constant 0 : i32
    %dma_start3A_16 = arith.constant 0 : i32
    %dma_start3A_17 = tpu.memref_slice %arg2[%dma_start3A_15, %dma_start3A_16] : memref<100000x128xf32, #tpu.memory_space<hbm>> -> memref<100000x128xf32, #tpu.memory_space<hbm>>
    tpu.enqueue_indirect_dma source(%dma_start3A_17 : memref<100000x128xf32, #tpu.memory_space<hbm>>) target(%arg6 : memref<400x128xf32, #tpu.memory_space<vmem>>) offsets(%dma_start3A_14 : memref<400xi32, #tpu.memory_space<vmem>>) semaphore(%arg9 : memref<!tpu.dma_semaphore, #tpu.memory_space<semaphore_mem>>)
    %dma_start3A_18 = arith.constant 400 : i32
    %dma_start3A_19 = tpu.memref_slice %arg5[%dma_start3A_18] : memref<6400xi32, #tpu.memory_space<vmem>> -> memref<400xi32, #tpu.memory_space<vmem>>
    %dma_start3A_20 = arith.constant 0 : i32
    %dma_start3A_21 = arith.constant 0 : i32
    %dma_start3A_22 = tpu.memref_slice %arg2[%dma_start3A_20, %dma_start3A_21] : memref<100000x128xf32, #tpu.memory_space<hbm>> -> memref<100000x128xf32, #tpu.memory_space<hbm>>
    tpu.enqueue_indirect_dma source(%dma_start3A_22 : memref<100000x128xf32, #tpu.memory_space<hbm>>) target(%arg7 : memref<400x128xf32, #tpu.memory_space<vmem>>) offsets(%dma_start3A_19 : memref<400xi32, #tpu.memory_space<vmem>>) semaphore(%arg10 : memref<!tpu.dma_semaphore, #tpu.memory_space<semaphore_mem>>)
    %dma_wait3A_23 = arith.constant 0 : i32
    %dma_wait3A_24 = tpu.memref_slice %arg5[%dma_wait3A_23] : memref<6400xi32, #tpu.memory_space<vmem>> -> memref<400xi32, #tpu.memory_space<vmem>>
    %dma_wait3A_25 = arith.constant 0 : i32
    %dma_wait3A_26 = arith.constant 0 : i32
    %dma_wait3A_27 = tpu.memref_slice %arg2[%dma_wait3A_25, %dma_wait3A_26] : memref<100000x128xf32, #tpu.memory_space<hbm>> -> memref<100000x128xf32, #tpu.memory_space<hbm>>
    tpu.wait_indirect_dma semaphore(%arg9 : memref<!tpu.dma_semaphore, #tpu.memory_space<semaphore_mem>>) src(%dma_wait3A_27 : memref<100000x128xf32, #tpu.memory_space<hbm>>) dst(%arg6 : memref<400x128xf32, #tpu.memory_space<vmem>>)
    %add3A_28 = arith.constant 0 : i32
    %add3A_29 = arith.addi %mul3A_12, %add3A_28 : i32
    %dma_start3A_30 = arith.constant 0 : i32
    %dma_start3A_31 = tpu.memref_slice %arg4[%add3A_29, %dma_start3A_30] : memref<204800x128xf32, #tpu.memory_space<hbm>> -> memref<400x128xf32, #tpu.memory_space<hbm>>
    %dma_start3A_32 = arith.constant 0 : i32
    %dma_start3A_33 = tpu.memref_slice %arg4[%add3A_29, %dma_start3A_32] : memref<204800x128xf32, #tpu.memory_space<hbm>> -> memref<400x128xf32, #tpu.memory_space<hbm>>
    tpu.enqueue_dma source(%arg6 : memref<400x128xf32, #tpu.memory_space<vmem>>) target(%dma_start3A_33 : memref<400x128xf32, #tpu.memory_space<hbm>>) target_semaphore(%arg11 : memref<!tpu.dma_semaphore, #tpu.memory_space<semaphore_mem>>)
    %add3A_34 = arith.constant 0 : i32
    %add3A_35 = arith.addi %mul3A_12, %add3A_34 : i32
    %dma_wait3A_36 = arith.constant 0 : i32
    %dma_wait3A_37 = tpu.memref_slice %arg4[%add3A_35, %dma_wait3A_36] : memref<204800x128xf32, #tpu.memory_space<hbm>> -> memref<400x128xf32, #tpu.memory_space<hbm>>
    %dma_wait3A_38 = arith.constant 0 : i32
    %dma_wait3A_39 = tpu.memref_slice %arg4[%add3A_35, %dma_wait3A_38] : memref<204800x128xf32, #tpu.memory_space<hbm>> -> memref<400x128xf32, #tpu.memory_space<hbm>>
    tpu.wait_dma2 semaphore(%arg11 : memref<!tpu.dma_semaphore, #tpu.memory_space<semaphore_mem>>) src(%arg6 : memref<400x128xf32, #tpu.memory_space<vmem>>) dst(%dma_wait3A_39 : memref<400x128xf32, #tpu.memory_space<hbm>>)
    %dma_start3A_40 = arith.constant 800 : i32
    %dma_start3A_41 = tpu.memref_slice %arg5[%dma_start3A_40] : memref<6400xi32, #tpu.memory_space<vmem>> -> memref<400xi32, #tpu.memory_space<vmem>>
    %dma_start3A_42 = arith.constant 0 : i32
    %dma_start3A_43 = arith.constant 0 : i32
    %dma_start3A_44 = tpu.memref_slice %arg2[%dma_start3A_42, %dma_start3A_43] : memref<100000x128xf32, #tpu.memory_space<hbm>> -> memref<100000x128xf32, #tpu.memory_space<hbm>>
    tpu.enqueue_indirect_dma source(%dma_start3A_44 : memref<100000x128xf32, #tpu.memory_space<hbm>>) target(%arg6 : memref<400x128xf32, #tpu.memory_space<vmem>>) offsets(%dma_start3A_41 : memref<400xi32, #tpu.memory_space<vmem>>) semaphore(%arg9 : memref<!tpu.dma_semaphore, #tpu.memory_space<semaphore_mem>>)
    %dma_wait3A_45 = arith.constant 400 : i32
    %dma_wait3A_46 = tpu.memref_slice %arg5[%dma_wait3A_45] : memref<6400xi32, #tpu.memory_space<vmem>> -> memref<400xi32, #tpu.memory_space<vmem>>
    %dma_wait3A_47 = arith.constant 0 : i32
    %dma_wait3A_48 = arith.constant 0 : i32
    %dma_wait3A_49 = tpu.memref_slice %arg2[%dma_wait3A_47, %dma_wait3A_48] : memref<100000x128xf32, #tpu.memory_space<hbm>> -> memref<100000x128xf32, #tpu.memory_space<hbm>>
    tpu.wait_indirect_dma semaphore(%arg10 : memref<!tpu.dma_semaphore, #tpu.memory_space<semaphore_mem>>) src(%dma_wait3A_49 : memref<100000x128xf32, #tpu.memory_space<hbm>>) dst(%arg7 : memref<400x128xf32, #tpu.memory_space<vmem>>)
    %add3A_50 = arith.constant 400 : i32
    %add3A_51 = arith.addi %mul3A_12, %add3A_50 : i32
    %dma_start3A_52 = arith.constant 0 : i32
    %dma_start3A_53 = tpu.memref_slice %arg4[%add3A_51, %dma_start3A_52] : memref<204800x128xf32, #tpu.memory_space<hbm>> -> memref<400x128xf32, #tpu.memory_space<hbm>>
    %dma_start3A_54 = arith.constant 0 : i32
    %dma_start3A_55 = tpu.memref_slice %arg4[%add3A_51, %dma_start3A_54] : memref<204800x128xf32, #tpu.memory_space<hbm>> -> memref<400x128xf32, #tpu.memory_space<hbm>>
    tpu.enqueue_dma source(%arg7 : memref<400x128xf32, #tpu.memory_space<vmem>>) target(%dma_start3A_55 : memref<400x128xf32, #tpu.memory_space<hbm>>) target_semaphore(%arg12 : memref<!tpu.dma_semaphore, #tpu.memory_space<semaphore_mem>>)
    %add3A_56 = arith.constant 400 : i32
    %add3A_57 = arith.addi %mul3A_12, %add3A_56 : i32
    %dma_wait3A_58 = arith.constant 0 : i32
    %dma_wait3A_59 = tpu.memref_slice %arg4[%add3A_57, %dma_wait3A_58] : memref<204800x128xf32, #tpu.memory_space<hbm>> -> memref<400x128xf32, #tpu.memory_space<hbm>>
    %dma_wait3A_60 = arith.constant 0 : i32
    %dma_wait3A_61 = tpu.memref_slice %arg4[%add3A_57, %dma_wait3A_60] : memref<204800x128xf32, #tpu.memory_space<hbm>> -> memref<400x128xf32, #tpu.memory_space<hbm>>
    tpu.wait_dma2 semaphore(%arg12 : memref<!tpu.dma_semaphore, #tpu.memory_space<semaphore_mem>>) src(%arg7 : memref<400x128xf32, #tpu.memory_space<vmem>>) dst(%dma_wait3A_61 : memref<400x128xf32, #tpu.memory_space<hbm>>)
    %dma_start3A_62 = arith.constant 1200 : i32
    %dma_start3A_63 = tpu.memref_slice %arg5[%dma_start3A_62] : memref<6400xi32, #tpu.memory_space<vmem>> -> memref<400xi32, #tpu.memory_space<vmem>>
    %dma_start3A_64 = arith.constant 0 : i32
    %dma_start3A_65 = arith.constant 0 : i32
    %dma_start3A_66 = tpu.memref_slice %arg2[%dma_start3A_64, %dma_start3A_65] : memref<100000x128xf32, #tpu.memory_space<hbm>> -> memref<100000x128xf32, #tpu.memory_space<hbm>>
    tpu.enqueue_indirect_dma source(%dma_start3A_66 : memref<100000x128xf32, #tpu.memory_space<hbm>>) target(%arg7 : memref<400x128xf32, #tpu.memory_space<vmem>>) offsets(%dma_start3A_63 : memref<400xi32, #tpu.memory_space<vmem>>) semaphore(%arg10 : memref<!tpu.dma_semaphore, #tpu.memory_space<semaphore_mem>>)
    %dma_wait3A_67 = arith.constant 800 : i32
    %dma_wait3A_68 = tpu.memref_slice %arg5[%dma_wait3A_67] : memref<6400xi32, #tpu.memory_space<vmem>> -> memref<400xi32, #tpu.memory_space<vmem>>
    %dma_wait3A_69 = arith.constant 0 : i32
    %dma_wait3A_70 = arith.constant 0 : i32
    %dma_wait3A_71 = tpu.memref_slice %arg2[%dma_wait3A_69, %dma_wait3A_70] : memref<100000x128xf32, #tpu.memory_space<hbm>> -> memref<100000x128xf32, #tpu.memory_space<hbm>>
    tpu.wait_indirect_dma semaphore(%arg9 : memref<!tpu.dma_semaphore, #tpu.memory_space<semaphore_mem>>) src(%dma_wait3A_71 : memref<100000x128xf32, #tpu.memory_space<hbm>>) dst(%arg6 : memref<400x128xf32, #tpu.memory_space<vmem>>)
    %add3A_72 = arith.constant 800 : i32
    %add3A_73 = arith.addi %mul3A_12, %add3A_72 : i32
    %dma_start3A_74 = arith.constant 0 : i32
    %dma_start3A_75 = tpu.memref_slice %arg4[%add3A_73, %dma_start3A_74] : memref<204800x128xf32, #tpu.memory_space<hbm>> -> memref<400x128xf32, #tpu.memory_space<hbm>>
    %dma_start3A_76 = arith.constant 0 : i32
    %dma_start3A_77 = tpu.memref_slice %arg4[%add3A_73, %dma_start3A_76] : memref<204800x128xf32, #tpu.memory_space<hbm>> -> memref<400x128xf32, #tpu.memory_space<hbm>>
    tpu.enqueue_dma source(%arg6 : memref<400x128xf32, #tpu.memory_space<vmem>>) target(%dma_start3A_77 : memref<400x128xf32, #tpu.memory_space<hbm>>) target_semaphore(%arg11 : memref<!tpu.dma_semaphore, #tpu.memory_space<semaphore_mem>>)
    %add3A_78 = arith.constant 800 : i32
    %add3A_79 = arith.addi %mul3A_12, %add3A_78 : i32
    %dma_wait3A_80 = arith.constant 0 : i32
    %dma_wait3A_81 = tpu.memref_slice %arg4[%add3A_79, %dma_wait3A_80] : memref<204800x128xf32, #tpu.memory_space<hbm>> -> memref<400x128xf32, #tpu.memory_space<hbm>>
    %dma_wait3A_82 = arith.constant 0 : i32
    %dma_wait3A_83 = tpu.memref_slice %arg4[%add3A_79, %dma_wait3A_82] : memref<204800x128xf32, #tpu.memory_space<hbm>> -> memref<400x128xf32, #tpu.memory_space<hbm>>
    tpu.wait_dma2 semaphore(%arg11 : memref<!tpu.dma_semaphore, #tpu.memory_space<semaphore_mem>>) src(%arg6 : memref<400x128xf32, #tpu.memory_space<vmem>>) dst(%dma_wait3A_83 : memref<400x128xf32, #tpu.memory_space<hbm>>)
    %dma_start3A_84 = arith.constant 1600 : i32
    %dma_start3A_85 = tpu.memref_slice %arg5[%dma_start3A_84] : memref<6400xi32, #tpu.memory_space<vmem>> -> memref<400xi32, #tpu.memory_space<vmem>>
    %dma_start3A_86 = arith.constant 0 : i32
    %dma_start3A_87 = arith.constant 0 : i32
    %dma_start3A_88 = tpu.memref_slice %arg2[%dma_start3A_86, %dma_start3A_87] : memref<100000x128xf32, #tpu.memory_space<hbm>> -> memref<100000x128xf32, #tpu.memory_space<hbm>>
    tpu.enqueue_indirect_dma source(%dma_start3A_88 : memref<100000x128xf32, #tpu.memory_space<hbm>>) target(%arg6 : memref<400x128xf32, #tpu.memory_space<vmem>>) offsets(%dma_start3A_85 : memref<400xi32, #tpu.memory_space<vmem>>) semaphore(%arg9 : memref<!tpu.dma_semaphore, #tpu.memory_space<semaphore_mem>>)
    %dma_wait3A_89 = arith.constant 1200 : i32
    %dma_wait3A_90 = tpu.memref_slice %arg5[%dma_wait3A_89] : memref<6400xi32, #tpu.memory_space<vmem>> -> memref<400xi32, #tpu.memory_space<vmem>>
    %dma_wait3A_91 = arith.constant 0 : i32
    %dma_wait3A_92 = arith.constant 0 : i32
    %dma_wait3A_93 = tpu.memref_slice %arg2[%dma_wait3A_91, %dma_wait3A_92] : memref<100000x128xf32, #tpu.memory_space<hbm>> -> memref<100000x128xf32, #tpu.memory_space<hbm>>
    tpu.wait_indirect_dma semaphore(%arg10 : memref<!tpu.dma_semaphore, #tpu.memory_space<semaphore_mem>>) src(%dma_wait3A_93 : memref<100000x128xf32, #tpu.memory_space<hbm>>) dst(%arg7 : memref<400x128xf32, #tpu.memory_space<vmem>>)
    %add3A_94 = arith.constant 1200 : i32
    %add3A_95 = arith.addi %mul3A_12, %add3A_94 : i32
    %dma_start3A_96 = arith.constant 0 : i32
    %dma_start3A_97 = tpu.memref_slice %arg4[%add3A_95, %dma_start3A_96] : memref<204800x128xf32, #tpu.memory_space<hbm>> -> memref<400x128xf32, #tpu.memory_space<hbm>>
    %dma_start3A_98 = arith.constant 0 : i32
    %dma_start3A_99 = tpu.memref_slice %arg4[%add3A_95, %dma_start3A_98] : memref<204800x128xf32, #tpu.memory_space<hbm>> -> memref<400x128xf32, #tpu.memory_space<hbm>>
    tpu.enqueue_dma source(%arg7 : memref<400x128xf32, #tpu.memory_space<vmem>>) target(%dma_start3A_99 : memref<400x128xf32, #tpu.memory_space<hbm>>) target_semaphore(%arg12 : memref<!tpu.dma_semaphore, #tpu.memory_space<semaphore_mem>>)
    %add3A_100 = arith.constant 1200 : i32
    %add3A_101 = arith.addi %mul3A_12, %add3A_100 : i32
    %dma_wait3A_102 = arith.constant 0 : i32
    %dma_wait3A_103 = tpu.memref_slice %arg4[%add3A_101, %dma_wait3A_102] : memref<204800x128xf32, #tpu.memory_space<hbm>> -> memref<400x128xf32, #tpu.memory_space<hbm>>
    %dma_wait3A_104 = arith.constant 0 : i32
    %dma_wait3A_105 = tpu.memref_slice %arg4[%add3A_101, %dma_wait3A_104] : memref<204800x128xf32, #tpu.memory_space<hbm>> -> memref<400x128xf32, #tpu.memory_space<hbm>>
    tpu.wait_dma2 semaphore(%arg12 : memref<!tpu.dma_semaphore, #tpu.memory_space<semaphore_mem>>) src(%arg7 : memref<400x128xf32, #tpu.memory_space<vmem>>) dst(%dma_wait3A_105 : memref<400x128xf32, #tpu.memory_space<hbm>>)
    %dma_start3A_106 = arith.constant 2000 : i32
    %dma_start3A_107 = tpu.memref_slice %arg5[%dma_start3A_106] : memref<6400xi32, #tpu.memory_space<vmem>> -> memref<400xi32, #tpu.memory_space<vmem>>
    %dma_start3A_108 = arith.constant 0 : i32
    %dma_start3A_109 = arith.constant 0 : i32
    %dma_start3A_110 = tpu.memref_slice %arg2[%dma_start3A_108, %dma_start3A_109] : memref<100000x128xf32, #tpu.memory_space<hbm>> -> memref<100000x128xf32, #tpu.memory_space<hbm>>
    tpu.enqueue_indirect_dma source(%dma_start3A_110 : memref<100000x128xf32, #tpu.memory_space<hbm>>) target(%arg7 : memref<400x128xf32, #tpu.memory_space<vmem>>) offsets(%dma_start3A_107 : memref<400xi32, #tpu.memory_space<vmem>>) semaphore(%arg10 : memref<!tpu.dma_semaphore, #tpu.memory_space<semaphore_mem>>)
    %dma_wait3A_111 = arith.constant 1600 : i32
    %dma_wait3A_112 = tpu.memref_slice %arg5[%dma_wait3A_111] : memref<6400xi32, #tpu.memory_space<vmem>> -> memref<400xi32, #tpu.memory_space<vmem>>
    %dma_wait3A_113 = arith.constant 0 : i32
    %dma_wait3A_114 = arith.constant 0 : i32
    %dma_wait3A_115 = tpu.memref_slice %arg2[%dma_wait3A_113, %dma_wait3A_114] : memref<100000x128xf32, #tpu.memory_space<hbm>> -> memref<100000x128xf32, #tpu.memory_space<hbm>>
    tpu.wait_indirect_dma semaphore(%arg9 : memref<!tpu.dma_semaphore, #tpu.memory_space<semaphore_mem>>) src(%dma_wait3A_115 : memref<100000x128xf32, #tpu.memory_space<hbm>>) dst(%arg6 : memref<400x128xf32, #tpu.memory_space<vmem>>)
    %add3A_116 = arith.constant 1600 : i32
    %add3A_117 = arith.addi %mul3A_12, %add3A_116 : i32
    %dma_start3A_118 = arith.constant 0 : i32
    %dma_start3A_119 = tpu.memref_slice %arg4[%add3A_117, %dma_start3A_118] : memref<204800x128xf32, #tpu.memory_space<hbm>> -> memref<400x128xf32, #tpu.memory_space<hbm>>
    %dma_start3A_120 = arith.constant 0 : i32
    %dma_start3A_121 = tpu.memref_slice %arg4[%add3A_117, %dma_start3A_120] : memref<204800x128xf32, #tpu.memory_space<hbm>> -> memref<400x128xf32, #tpu.memory_space<hbm>>
    tpu.enqueue_dma source(%arg6 : memref<400x128xf32, #tpu.memory_space<vmem>>) target(%dma_start3A_121 : memref<400x128xf32, #tpu.memory_space<hbm>>) target_semaphore(%arg11 : memref<!tpu.dma_semaphore, #tpu.memory_space<semaphore_mem>>)
    %add3A_122 = arith.constant 1600 : i32
    %add3A_123 = arith.addi %mul3A_12, %add3A_122 : i32
    %dma_wait3A_124 = arith.constant 0 : i32
    %dma_wait3A_125 = tpu.memref_slice %arg4[%add3A_123, %dma_wait3A_124] : memref<204800x128xf32, #tpu.memory_space<hbm>> -> memref<400x128xf32, #tpu.memory_space<hbm>>
    %dma_wait3A_126 = arith.constant 0 : i32
    %dma_wait3A_127 = tpu.memref_slice %arg4[%add3A_123, %dma_wait3A_126] : memref<204800x128xf32, #tpu.memory_space<hbm>> -> memref<400x128xf32, #tpu.memory_space<hbm>>
    tpu.wait_dma2 semaphore(%arg11 : memref<!tpu.dma_semaphore, #tpu.memory_space<semaphore_mem>>) src(%arg6 : memref<400x128xf32, #tpu.memory_space<vmem>>) dst(%dma_wait3A_127 : memref<400x128xf32, #tpu.memory_space<hbm>>)
    %dma_start3A_128 = arith.constant 2400 : i32
    %dma_start3A_129 = tpu.memref_slice %arg5[%dma_start3A_128] : memref<6400xi32, #tpu.memory_space<vmem>> -> memref<400xi32, #tpu.memory_space<vmem>>
    %dma_start3A_130 = arith.constant 0 : i32
    %dma_start3A_131 = arith.constant 0 : i32
    %dma_start3A_132 = tpu.memref_slice %arg2[%dma_start3A_130, %dma_start3A_131] : memref<100000x128xf32, #tpu.memory_space<hbm>> -> memref<100000x128xf32, #tpu.memory_space<hbm>>
    tpu.enqueue_indirect_dma source(%dma_start3A_132 : memref<100000x128xf32, #tpu.memory_space<hbm>>) target(%arg6 : memref<400x128xf32, #tpu.memory_space<vmem>>) offsets(%dma_start3A_129 : memref<400xi32, #tpu.memory_space<vmem>>) semaphore(%arg9 : memref<!tpu.dma_semaphore, #tpu.memory_space<semaphore_mem>>)
    %dma_wait3A_133 = arith.constant 2000 : i32
    %dma_wait3A_134 = tpu.memref_slice %arg5[%dma_wait3A_133] : memref<6400xi32, #tpu.memory_space<vmem>> -> memref<400xi32, #tpu.memory_space<vmem>>
    %dma_wait3A_135 = arith.constant 0 : i32
    %dma_wait3A_136 = arith.constant 0 : i32
    %dma_wait3A_137 = tpu.memref_slice %arg2[%dma_wait3A_135, %dma_wait3A_136] : memref<100000x128xf32, #tpu.memory_space<hbm>> -> memref<100000x128xf32, #tpu.memory_space<hbm>>
    tpu.wait_indirect_dma semaphore(%arg10 : memref<!tpu.dma_semaphore, #tpu.memory_space<semaphore_mem>>) src(%dma_wait3A_137 : memref<100000x128xf32, #tpu.memory_space<hbm>>) dst(%arg7 : memref<400x128xf32, #tpu.memory_space<vmem>>)
    %add3A_138 = arith.constant 2000 : i32
    %add3A_139 = arith.addi %mul3A_12, %add3A_138 : i32
    %dma_start3A_140 = arith.constant 0 : i32
    %dma_start3A_141 = tpu.memref_slice %arg4[%add3A_139, %dma_start3A_140] : memref<204800x128xf32, #tpu.memory_space<hbm>> -> memref<400x128xf32, #tpu.memory_space<hbm>>
    %dma_start3A_142 = arith.constant 0 : i32
    %dma_start3A_143 = tpu.memref_slice %arg4[%add3A_139, %dma_start3A_142] : memref<204800x128xf32, #tpu.memory_space<hbm>> -> memref<400x128xf32, #tpu.memory_space<hbm>>
    tpu.enqueue_dma source(%arg7 : memref<400x128xf32, #tpu.memory_space<vmem>>) target(%dma_start3A_143 : memref<400x128xf32, #tpu.memory_space<hbm>>) target_semaphore(%arg12 : memref<!tpu.dma_semaphore, #tpu.memory_space<semaphore_mem>>)
    %add3A_144 = arith.constant 2000 : i32
    %add3A_145 = arith.addi %mul3A_12, %add3A_144 : i32
    %dma_wait3A_146 = arith.constant 0 : i32
    %dma_wait3A_147 = tpu.memref_slice %arg4[%add3A_145, %dma_wait3A_146] : memref<204800x128xf32, #tpu.memory_space<hbm>> -> memref<400x128xf32, #tpu.memory_space<hbm>>
    %dma_wait3A_148 = arith.constant 0 : i32
    %dma_wait3A_149 = tpu.memref_slice %arg4[%add3A_145, %dma_wait3A_148] : memref<204800x128xf32, #tpu.memory_space<hbm>> -> memref<400x128xf32, #tpu.memory_space<hbm>>
    tpu.wait_dma2 semaphore(%arg12 : memref<!tpu.dma_semaphore, #tpu.memory_space<semaphore_mem>>) src(%arg7 : memref<400x128xf32, #tpu.memory_space<vmem>>) dst(%dma_wait3A_149 : memref<400x128xf32, #tpu.memory_space<hbm>>)
    %dma_start3A_150 = arith.constant 2800 : i32
    %dma_start3A_151 = tpu.memref_slice %arg5[%dma_start3A_150] : memref<6400xi32, #tpu.memory_space<vmem>> -> memref<400xi32, #tpu.memory_space<vmem>>
    %dma_start3A_152 = arith.constant 0 : i32
    %dma_start3A_153 = arith.constant 0 : i32
    %dma_start3A_154 = tpu.memref_slice %arg2[%dma_start3A_152, %dma_start3A_153] : memref<100000x128xf32, #tpu.memory_space<hbm>> -> memref<100000x128xf32, #tpu.memory_space<hbm>>
    tpu.enqueue_indirect_dma source(%dma_start3A_154 : memref<100000x128xf32, #tpu.memory_space<hbm>>) target(%arg7 : memref<400x128xf32, #tpu.memory_space<vmem>>) offsets(%dma_start3A_151 : memref<400xi32, #tpu.memory_space<vmem>>) semaphore(%arg10 : memref<!tpu.dma_semaphore, #tpu.memory_space<semaphore_mem>>)
    %dma_wait3A_155 = arith.constant 2400 : i32
    %dma_wait3A_156 = tpu.memref_slice %arg5[%dma_wait3A_155] : memref<6400xi32, #tpu.memory_space<vmem>> -> memref<400xi32, #tpu.memory_space<vmem>>
    %dma_wait3A_157 = arith.constant 0 : i32
    %dma_wait3A_158 = arith.constant 0 : i32
    %dma_wait3A_159 = tpu.memref_slice %arg2[%dma_wait3A_157, %dma_wait3A_158] : memref<100000x128xf32, #tpu.memory_space<hbm>> -> memref<100000x128xf32, #tpu.memory_space<hbm>>
    tpu.wait_indirect_dma semaphore(%arg9 : memref<!tpu.dma_semaphore, #tpu.memory_space<semaphore_mem>>) src(%dma_wait3A_159 : memref<100000x128xf32, #tpu.memory_space<hbm>>) dst(%arg6 : memref<400x128xf32, #tpu.memory_space<vmem>>)
    %add3A_160 = arith.constant 2400 : i32
    %add3A_161 = arith.addi %mul3A_12, %add3A_160 : i32
    %dma_start3A_162 = arith.constant 0 : i32
    %dma_start3A_163 = tpu.memref_slice %arg4[%add3A_161, %dma_start3A_162] : memref<204800x128xf32, #tpu.memory_space<hbm>> -> memref<400x128xf32, #tpu.memory_space<hbm>>
    %dma_start3A_164 = arith.constant 0 : i32
    %dma_start3A_165 = tpu.memref_slice %arg4[%add3A_161, %dma_start3A_164] : memref<204800x128xf32, #tpu.memory_space<hbm>> -> memref<400x128xf32, #tpu.memory_space<hbm>>
    tpu.enqueue_dma source(%arg6 : memref<400x128xf32, #tpu.memory_space<vmem>>) target(%dma_start3A_165 : memref<400x128xf32, #tpu.memory_space<hbm>>) target_semaphore(%arg11 : memref<!tpu.dma_semaphore, #tpu.memory_space<semaphore_mem>>)
    %add3A_166 = arith.constant 2400 : i32
    %add3A_167 = arith.addi %mul3A_12, %add3A_166 : i32
    %dma_wait3A_168 = arith.constant 0 : i32
    %dma_wait3A_169 = tpu.memref_slice %arg4[%add3A_167, %dma_wait3A_168] : memref<204800x128xf32, #tpu.memory_space<hbm>> -> memref<400x128xf32, #tpu.memory_space<hbm>>
    %dma_wait3A_170 = arith.constant 0 : i32
    %dma_wait3A_171 = tpu.memref_slice %arg4[%add3A_167, %dma_wait3A_170] : memref<204800x128xf32, #tpu.memory_space<hbm>> -> memref<400x128xf32, #tpu.memory_space<hbm>>
    tpu.wait_dma2 semaphore(%arg11 : memref<!tpu.dma_semaphore, #tpu.memory_space<semaphore_mem>>) src(%arg6 : memref<400x128xf32, #tpu.memory_space<vmem>>) dst(%dma_wait3A_171 : memref<400x128xf32, #tpu.memory_space<hbm>>)
    %dma_start3A_172 = arith.constant 3200 : i32
    %dma_start3A_173 = tpu.memref_slice %arg5[%dma_start3A_172] : memref<6400xi32, #tpu.memory_space<vmem>> -> memref<400xi32, #tpu.memory_space<vmem>>
    %dma_start3A_174 = arith.constant 0 : i32
    %dma_start3A_175 = arith.constant 0 : i32
    %dma_start3A_176 = tpu.memref_slice %arg2[%dma_start3A_174, %dma_start3A_175] : memref<100000x128xf32, #tpu.memory_space<hbm>> -> memref<100000x128xf32, #tpu.memory_space<hbm>>
    tpu.enqueue_indirect_dma source(%dma_start3A_176 : memref<100000x128xf32, #tpu.memory_space<hbm>>) target(%arg6 : memref<400x128xf32, #tpu.memory_space<vmem>>) offsets(%dma_start3A_173 : memref<400xi32, #tpu.memory_space<vmem>>) semaphore(%arg9 : memref<!tpu.dma_semaphore, #tpu.memory_space<semaphore_mem>>)
    %dma_wait3A_177 = arith.constant 2800 : i32
    %dma_wait3A_178 = tpu.memref_slice %arg5[%dma_wait3A_177] : memref<6400xi32, #tpu.memory_space<vmem>> -> memref<400xi32, #tpu.memory_space<vmem>>
    %dma_wait3A_179 = arith.constant 0 : i32
    %dma_wait3A_180 = arith.constant 0 : i32
    %dma_wait3A_181 = tpu.memref_slice %arg2[%dma_wait3A_179, %dma_wait3A_180] : memref<100000x128xf32, #tpu.memory_space<hbm>> -> memref<100000x128xf32, #tpu.memory_space<hbm>>
    tpu.wait_indirect_dma semaphore(%arg10 : memref<!tpu.dma_semaphore, #tpu.memory_space<semaphore_mem>>) src(%dma_wait3A_181 : memref<100000x128xf32, #tpu.memory_space<hbm>>) dst(%arg7 : memref<400x128xf32, #tpu.memory_space<vmem>>)
    %add3A_182 = arith.constant 2800 : i32
    %add3A_183 = arith.addi %mul3A_12, %add3A_182 : i32
    %dma_start3A_184 = arith.constant 0 : i32
    %dma_start3A_185 = tpu.memref_slice %arg4[%add3A_183, %dma_start3A_184] : memref<204800x128xf32, #tpu.memory_space<hbm>> -> memref<400x128xf32, #tpu.memory_space<hbm>>
    %dma_start3A_186 = arith.constant 0 : i32
    %dma_start3A_187 = tpu.memref_slice %arg4[%add3A_183, %dma_start3A_186] : memref<204800x128xf32, #tpu.memory_space<hbm>> -> memref<400x128xf32, #tpu.memory_space<hbm>>
    tpu.enqueue_dma source(%arg7 : memref<400x128xf32, #tpu.memory_space<vmem>>) target(%dma_start3A_187 : memref<400x128xf32, #tpu.memory_space<hbm>>) target_semaphore(%arg12 : memref<!tpu.dma_semaphore, #tpu.memory_space<semaphore_mem>>)
    %add3A_188 = arith.constant 2800 : i32
    %add3A_189 = arith.addi %mul3A_12, %add3A_188 : i32
    %dma_wait3A_190 = arith.constant 0 : i32
    %dma_wait3A_191 = tpu.memref_slice %arg4[%add3A_189, %dma_wait3A_190] : memref<204800x128xf32, #tpu.memory_space<hbm>> -> memref<400x128xf32, #tpu.memory_space<hbm>>
    %dma_wait3A_192 = arith.constant 0 : i32
    %dma_wait3A_193 = tpu.memref_slice %arg4[%add3A_189, %dma_wait3A_192] : memref<204800x128xf32, #tpu.memory_space<hbm>> -> memref<400x128xf32, #tpu.memory_space<hbm>>
    tpu.wait_dma2 semaphore(%arg12 : memref<!tpu.dma_semaphore, #tpu.memory_space<semaphore_mem>>) src(%arg7 : memref<400x128xf32, #tpu.memory_space<vmem>>) dst(%dma_wait3A_193 : memref<400x128xf32, #tpu.memory_space<hbm>>)
    %dma_start3A_194 = arith.constant 3600 : i32
    %dma_start3A_195 = tpu.memref_slice %arg5[%dma_start3A_194] : memref<6400xi32, #tpu.memory_space<vmem>> -> memref<400xi32, #tpu.memory_space<vmem>>
    %dma_start3A_196 = arith.constant 0 : i32
    %dma_start3A_197 = arith.constant 0 : i32
    %dma_start3A_198 = tpu.memref_slice %arg2[%dma_start3A_196, %dma_start3A_197] : memref<100000x128xf32, #tpu.memory_space<hbm>> -> memref<100000x128xf32, #tpu.memory_space<hbm>>
    tpu.enqueue_indirect_dma source(%dma_start3A_198 : memref<100000x128xf32, #tpu.memory_space<hbm>>) target(%arg7 : memref<400x128xf32, #tpu.memory_space<vmem>>) offsets(%dma_start3A_195 : memref<400xi32, #tpu.memory_space<vmem>>) semaphore(%arg10 : memref<!tpu.dma_semaphore, #tpu.memory_space<semaphore_mem>>)
    %dma_wait3A_199 = arith.constant 3200 : i32
    %dma_wait3A_200 = tpu.memref_slice %arg5[%dma_wait3A_199] : memref<6400xi32, #tpu.memory_space<vmem>> -> memref<400xi32, #tpu.memory_space<vmem>>
    %dma_wait3A_201 = arith.constant 0 : i32
    %dma_wait3A_202 = arith.constant 0 : i32
    %dma_wait3A_203 = tpu.memref_slice %arg2[%dma_wait3A_201, %dma_wait3A_202] : memref<100000x128xf32, #tpu.memory_space<hbm>> -> memref<100000x128xf32, #tpu.memory_space<hbm>>
    tpu.wait_indirect_dma semaphore(%arg9 : memref<!tpu.dma_semaphore, #tpu.memory_space<semaphore_mem>>) src(%dma_wait3A_203 : memref<100000x128xf32, #tpu.memory_space<hbm>>) dst(%arg6 : memref<400x128xf32, #tpu.memory_space<vmem>>)
    %add3A_204 = arith.constant 3200 : i32
    %add3A_205 = arith.addi %mul3A_12, %add3A_204 : i32
    %dma_start3A_206 = arith.constant 0 : i32
    %dma_start3A_207 = tpu.memref_slice %arg4[%add3A_205, %dma_start3A_206] : memref<204800x128xf32, #tpu.memory_space<hbm>> -> memref<400x128xf32, #tpu.memory_space<hbm>>
    %dma_start3A_208 = arith.constant 0 : i32
    %dma_start3A_209 = tpu.memref_slice %arg4[%add3A_205, %dma_start3A_208] : memref<204800x128xf32, #tpu.memory_space<hbm>> -> memref<400x128xf32, #tpu.memory_space<hbm>>
    tpu.enqueue_dma source(%arg6 : memref<400x128xf32, #tpu.memory_space<vmem>>) target(%dma_start3A_209 : memref<400x128xf32, #tpu.memory_space<hbm>>) target_semaphore(%arg11 : memref<!tpu.dma_semaphore, #tpu.memory_space<semaphore_mem>>)
    %add3A_210 = arith.constant 3200 : i32
    %add3A_211 = arith.addi %mul3A_12, %add3A_210 : i32
    %dma_wait3A_212 = arith.constant 0 : i32
    %dma_wait3A_213 = tpu.memref_slice %arg4[%add3A_211, %dma_wait3A_212] : memref<204800x128xf32, #tpu.memory_space<hbm>> -> memref<400x128xf32, #tpu.memory_space<hbm>>
    %dma_wait3A_214 = arith.constant 0 : i32
    %dma_wait3A_215 = tpu.memref_slice %arg4[%add3A_211, %dma_wait3A_214] : memref<204800x128xf32, #tpu.memory_space<hbm>> -> memref<400x128xf32, #tpu.memory_space<hbm>>
    tpu.wait_dma2 semaphore(%arg11 : memref<!tpu.dma_semaphore, #tpu.memory_space<semaphore_mem>>) src(%arg6 : memref<400x128xf32, #tpu.memory_space<vmem>>) dst(%dma_wait3A_215 : memref<400x128xf32, #tpu.memory_space<hbm>>)
    %dma_start3A_216 = arith.constant 4000 : i32
    %dma_start3A_217 = tpu.memref_slice %arg5[%dma_start3A_216] : memref<6400xi32, #tpu.memory_space<vmem>> -> memref<400xi32, #tpu.memory_space<vmem>>
    %dma_start3A_218 = arith.constant 0 : i32
    %dma_start3A_219 = arith.constant 0 : i32
    %dma_start3A_220 = tpu.memref_slice %arg2[%dma_start3A_218, %dma_start3A_219] : memref<100000x128xf32, #tpu.memory_space<hbm>> -> memref<100000x128xf32, #tpu.memory_space<hbm>>
    tpu.enqueue_indirect_dma source(%dma_start3A_220 : memref<100000x128xf32, #tpu.memory_space<hbm>>) target(%arg6 : memref<400x128xf32, #tpu.memory_space<vmem>>) offsets(%dma_start3A_217 : memref<400xi32, #tpu.memory_space<vmem>>) semaphore(%arg9 : memref<!tpu.dma_semaphore, #tpu.memory_space<semaphore_mem>>)
    %dma_wait3A_221 = arith.constant 3600 : i32
    %dma_wait3A_222 = tpu.memref_slice %arg5[%dma_wait3A_221] : memref<6400xi32, #tpu.memory_space<vmem>> -> memref<400xi32, #tpu.memory_space<vmem>>
    %dma_wait3A_223 = arith.constant 0 : i32
    %dma_wait3A_224 = arith.constant 0 : i32
    %dma_wait3A_225 = tpu.memref_slice %arg2[%dma_wait3A_223, %dma_wait3A_224] : memref<100000x128xf32, #tpu.memory_space<hbm>> -> memref<100000x128xf32, #tpu.memory_space<hbm>>
    tpu.wait_indirect_dma semaphore(%arg10 : memref<!tpu.dma_semaphore, #tpu.memory_space<semaphore_mem>>) src(%dma_wait3A_225 : memref<100000x128xf32, #tpu.memory_space<hbm>>) dst(%arg7 : memref<400x128xf32, #tpu.memory_space<vmem>>)
    %add3A_226 = arith.constant 3600 : i32
    %add3A_227 = arith.addi %mul3A_12, %add3A_226 : i32
    %dma_start3A_228 = arith.constant 0 : i32
    %dma_start3A_229 = tpu.memref_slice %arg4[%add3A_227, %dma_start3A_228] : memref<204800x128xf32, #tpu.memory_space<hbm>> -> memref<400x128xf32, #tpu.memory_space<hbm>>
    %dma_start3A_230 = arith.constant 0 : i32
    %dma_start3A_231 = tpu.memref_slice %arg4[%add3A_227, %dma_start3A_230] : memref<204800x128xf32, #tpu.memory_space<hbm>> -> memref<400x128xf32, #tpu.memory_space<hbm>>
    tpu.enqueue_dma source(%arg7 : memref<400x128xf32, #tpu.memory_space<vmem>>) target(%dma_start3A_231 : memref<400x128xf32, #tpu.memory_space<hbm>>) target_semaphore(%arg12 : memref<!tpu.dma_semaphore, #tpu.memory_space<semaphore_mem>>)
    %add3A_232 = arith.constant 3600 : i32
    %add3A_233 = arith.addi %mul3A_12, %add3A_232 : i32
    %dma_wait3A_234 = arith.constant 0 : i32
    %dma_wait3A_235 = tpu.memref_slice %arg4[%add3A_233, %dma_wait3A_234] : memref<204800x128xf32, #tpu.memory_space<hbm>> -> memref<400x128xf32, #tpu.memory_space<hbm>>
    %dma_wait3A_236 = arith.constant 0 : i32
    %dma_wait3A_237 = tpu.memref_slice %arg4[%add3A_233, %dma_wait3A_236] : memref<204800x128xf32, #tpu.memory_space<hbm>> -> memref<400x128xf32, #tpu.memory_space<hbm>>
    tpu.wait_dma2 semaphore(%arg12 : memref<!tpu.dma_semaphore, #tpu.memory_space<semaphore_mem>>) src(%arg7 : memref<400x128xf32, #tpu.memory_space<vmem>>) dst(%dma_wait3A_237 : memref<400x128xf32, #tpu.memory_space<hbm>>)
    %dma_start3A_238 = arith.constant 4400 : i32
    %dma_start3A_239 = tpu.memref_slice %arg5[%dma_start3A_238] : memref<6400xi32, #tpu.memory_space<vmem>> -> memref<400xi32, #tpu.memory_space<vmem>>
    %dma_start3A_240 = arith.constant 0 : i32
    %dma_start3A_241 = arith.constant 0 : i32
    %dma_start3A_242 = tpu.memref_slice %arg2[%dma_start3A_240, %dma_start3A_241] : memref<100000x128xf32, #tpu.memory_space<hbm>> -> memref<100000x128xf32, #tpu.memory_space<hbm>>
    tpu.enqueue_indirect_dma source(%dma_start3A_242 : memref<100000x128xf32, #tpu.memory_space<hbm>>) target(%arg7 : memref<400x128xf32, #tpu.memory_space<vmem>>) offsets(%dma_start3A_239 : memref<400xi32, #tpu.memory_space<vmem>>) semaphore(%arg10 : memref<!tpu.dma_semaphore, #tpu.memory_space<semaphore_mem>>)
    %dma_wait3A_243 = arith.constant 4000 : i32
    %dma_wait3A_244 = tpu.memref_slice %arg5[%dma_wait3A_243] : memref<6400xi32, #tpu.memory_space<vmem>> -> memref<400xi32, #tpu.memory_space<vmem>>
    %dma_wait3A_245 = arith.constant 0 : i32
    %dma_wait3A_246 = arith.constant 0 : i32
    %dma_wait3A_247 = tpu.memref_slice %arg2[%dma_wait3A_245, %dma_wait3A_246] : memref<100000x128xf32, #tpu.memory_space<hbm>> -> memref<100000x128xf32, #tpu.memory_space<hbm>>
    tpu.wait_indirect_dma semaphore(%arg9 : memref<!tpu.dma_semaphore, #tpu.memory_space<semaphore_mem>>) src(%dma_wait3A_247 : memref<100000x128xf32, #tpu.memory_space<hbm>>) dst(%arg6 : memref<400x128xf32, #tpu.memory_space<vmem>>)
    %add3A_248 = arith.constant 4000 : i32
    %add3A_249 = arith.addi %mul3A_12, %add3A_248 : i32
    %dma_start3A_250 = arith.constant 0 : i32
    %dma_start3A_251 = tpu.memref_slice %arg4[%add3A_249, %dma_start3A_250] : memref<204800x128xf32, #tpu.memory_space<hbm>> -> memref<400x128xf32, #tpu.memory_space<hbm>>
    %dma_start3A_252 = arith.constant 0 : i32
    %dma_start3A_253 = tpu.memref_slice %arg4[%add3A_249, %dma_start3A_252] : memref<204800x128xf32, #tpu.memory_space<hbm>> -> memref<400x128xf32, #tpu.memory_space<hbm>>
    tpu.enqueue_dma source(%arg6 : memref<400x128xf32, #tpu.memory_space<vmem>>) target(%dma_start3A_253 : memref<400x128xf32, #tpu.memory_space<hbm>>) target_semaphore(%arg11 : memref<!tpu.dma_semaphore, #tpu.memory_space<semaphore_mem>>)
    %add3A_254 = arith.constant 4000 : i32
    %add3A_255 = arith.addi %mul3A_12, %add3A_254 : i32
    %dma_wait3A_256 = arith.constant 0 : i32
    %dma_wait3A_257 = tpu.memref_slice %arg4[%add3A_255, %dma_wait3A_256] : memref<204800x128xf32, #tpu.memory_space<hbm>> -> memref<400x128xf32, #tpu.memory_space<hbm>>
    %dma_wait3A_258 = arith.constant 0 : i32
    %dma_wait3A_259 = tpu.memref_slice %arg4[%add3A_255, %dma_wait3A_258] : memref<204800x128xf32, #tpu.memory_space<hbm>> -> memref<400x128xf32, #tpu.memory_space<hbm>>
    tpu.wait_dma2 semaphore(%arg11 : memref<!tpu.dma_semaphore, #tpu.memory_space<semaphore_mem>>) src(%arg6 : memref<400x128xf32, #tpu.memory_space<vmem>>) dst(%dma_wait3A_259 : memref<400x128xf32, #tpu.memory_space<hbm>>)
    %dma_start3A_260 = arith.constant 4800 : i32
    %dma_start3A_261 = tpu.memref_slice %arg5[%dma_start3A_260] : memref<6400xi32, #tpu.memory_space<vmem>> -> memref<400xi32, #tpu.memory_space<vmem>>
    %dma_start3A_262 = arith.constant 0 : i32
    %dma_start3A_263 = arith.constant 0 : i32
    %dma_start3A_264 = tpu.memref_slice %arg2[%dma_start3A_262, %dma_start3A_263] : memref<100000x128xf32, #tpu.memory_space<hbm>> -> memref<100000x128xf32, #tpu.memory_space<hbm>>
    tpu.enqueue_indirect_dma source(%dma_start3A_264 : memref<100000x128xf32, #tpu.memory_space<hbm>>) target(%arg6 : memref<400x128xf32, #tpu.memory_space<vmem>>) offsets(%dma_start3A_261 : memref<400xi32, #tpu.memory_space<vmem>>) semaphore(%arg9 : memref<!tpu.dma_semaphore, #tpu.memory_space<semaphore_mem>>)
    %dma_wait3A_265 = arith.constant 4400 : i32
    %dma_wait3A_266 = tpu.memref_slice %arg5[%dma_wait3A_265] : memref<6400xi32, #tpu.memory_space<vmem>> -> memref<400xi32, #tpu.memory_space<vmem>>
    %dma_wait3A_267 = arith.constant 0 : i32
    %dma_wait3A_268 = arith.constant 0 : i32
    %dma_wait3A_269 = tpu.memref_slice %arg2[%dma_wait3A_267, %dma_wait3A_268] : memref<100000x128xf32, #tpu.memory_space<hbm>> -> memref<100000x128xf32, #tpu.memory_space<hbm>>
    tpu.wait_indirect_dma semaphore(%arg10 : memref<!tpu.dma_semaphore, #tpu.memory_space<semaphore_mem>>) src(%dma_wait3A_269 : memref<100000x128xf32, #tpu.memory_space<hbm>>) dst(%arg7 : memref<400x128xf32, #tpu.memory_space<vmem>>)
    %add3A_270 = arith.constant 4400 : i32
    %add3A_271 = arith.addi %mul3A_12, %add3A_270 : i32
    %dma_start3A_272 = arith.constant 0 : i32
    %dma_start3A_273 = tpu.memref_slice %arg4[%add3A_271, %dma_start3A_272] : memref<204800x128xf32, #tpu.memory_space<hbm>> -> memref<400x128xf32, #tpu.memory_space<hbm>>
    %dma_start3A_274 = arith.constant 0 : i32
    %dma_start3A_275 = tpu.memref_slice %arg4[%add3A_271, %dma_start3A_274] : memref<204800x128xf32, #tpu.memory_space<hbm>> -> memref<400x128xf32, #tpu.memory_space<hbm>>
    tpu.enqueue_dma source(%arg7 : memref<400x128xf32, #tpu.memory_space<vmem>>) target(%dma_start3A_275 : memref<400x128xf32, #tpu.memory_space<hbm>>) target_semaphore(%arg12 : memref<!tpu.dma_semaphore, #tpu.memory_space<semaphore_mem>>)
    %add3A_276 = arith.constant 4400 : i32
    %add3A_277 = arith.addi %mul3A_12, %add3A_276 : i32
    %dma_wait3A_278 = arith.constant 0 : i32
    %dma_wait3A_279 = tpu.memref_slice %arg4[%add3A_277, %dma_wait3A_278] : memref<204800x128xf32, #tpu.memory_space<hbm>> -> memref<400x128xf32, #tpu.memory_space<hbm>>
    %dma_wait3A_280 = arith.constant 0 : i32
    %dma_wait3A_281 = tpu.memref_slice %arg4[%add3A_277, %dma_wait3A_280] : memref<204800x128xf32, #tpu.memory_space<hbm>> -> memref<400x128xf32, #tpu.memory_space<hbm>>
    tpu.wait_dma2 semaphore(%arg12 : memref<!tpu.dma_semaphore, #tpu.memory_space<semaphore_mem>>) src(%arg7 : memref<400x128xf32, #tpu.memory_space<vmem>>) dst(%dma_wait3A_281 : memref<400x128xf32, #tpu.memory_space<hbm>>)
    %dma_start3A_282 = arith.constant 5200 : i32
    %dma_start3A_283 = tpu.memref_slice %arg5[%dma_start3A_282] : memref<6400xi32, #tpu.memory_space<vmem>> -> memref<400xi32, #tpu.memory_space<vmem>>
    %dma_start3A_284 = arith.constant 0 : i32
    %dma_start3A_285 = arith.constant 0 : i32
    %dma_start3A_286 = tpu.memref_slice %arg2[%dma_start3A_284, %dma_start3A_285] : memref<100000x128xf32, #tpu.memory_space<hbm>> -> memref<100000x128xf32, #tpu.memory_space<hbm>>
    tpu.enqueue_indirect_dma source(%dma_start3A_286 : memref<100000x128xf32, #tpu.memory_space<hbm>>) target(%arg7 : memref<400x128xf32, #tpu.memory_space<vmem>>) offsets(%dma_start3A_283 : memref<400xi32, #tpu.memory_space<vmem>>) semaphore(%arg10 : memref<!tpu.dma_semaphore, #tpu.memory_space<semaphore_mem>>)
    %dma_wait3A_287 = arith.constant 4800 : i32
    %dma_wait3A_288 = tpu.memref_slice %arg5[%dma_wait3A_287] : memref<6400xi32, #tpu.memory_space<vmem>> -> memref<400xi32, #tpu.memory_space<vmem>>
    %dma_wait3A_289 = arith.constant 0 : i32
    %dma_wait3A_290 = arith.constant 0 : i32
    %dma_wait3A_291 = tpu.memref_slice %arg2[%dma_wait3A_289, %dma_wait3A_290] : memref<100000x128xf32, #tpu.memory_space<hbm>> -> memref<100000x128xf32, #tpu.memory_space<hbm>>
    tpu.wait_indirect_dma semaphore(%arg9 : memref<!tpu.dma_semaphore, #tpu.memory_space<semaphore_mem>>) src(%dma_wait3A_291 : memref<100000x128xf32, #tpu.memory_space<hbm>>) dst(%arg6 : memref<400x128xf32, #tpu.memory_space<vmem>>)
    %add3A_292 = arith.constant 4800 : i32
    %add3A_293 = arith.addi %mul3A_12, %add3A_292 : i32
    %dma_start3A_294 = arith.constant 0 : i32
    %dma_start3A_295 = tpu.memref_slice %arg4[%add3A_293, %dma_start3A_294] : memref<204800x128xf32, #tpu.memory_space<hbm>> -> memref<400x128xf32, #tpu.memory_space<hbm>>
    %dma_start3A_296 = arith.constant 0 : i32
    %dma_start3A_297 = tpu.memref_slice %arg4[%add3A_293, %dma_start3A_296] : memref<204800x128xf32, #tpu.memory_space<hbm>> -> memref<400x128xf32, #tpu.memory_space<hbm>>
    tpu.enqueue_dma source(%arg6 : memref<400x128xf32, #tpu.memory_space<vmem>>) target(%dma_start3A_297 : memref<400x128xf32, #tpu.memory_space<hbm>>) target_semaphore(%arg11 : memref<!tpu.dma_semaphore, #tpu.memory_space<semaphore_mem>>)
    %add3A_298 = arith.constant 4800 : i32
    %add3A_299 = arith.addi %mul3A_12, %add3A_298 : i32
    %dma_wait3A_300 = arith.constant 0 : i32
    %dma_wait3A_301 = tpu.memref_slice %arg4[%add3A_299, %dma_wait3A_300] : memref<204800x128xf32, #tpu.memory_space<hbm>> -> memref<400x128xf32, #tpu.memory_space<hbm>>
    %dma_wait3A_302 = arith.constant 0 : i32
    %dma_wait3A_303 = tpu.memref_slice %arg4[%add3A_299, %dma_wait3A_302] : memref<204800x128xf32, #tpu.memory_space<hbm>> -> memref<400x128xf32, #tpu.memory_space<hbm>>
    tpu.wait_dma2 semaphore(%arg11 : memref<!tpu.dma_semaphore, #tpu.memory_space<semaphore_mem>>) src(%arg6 : memref<400x128xf32, #tpu.memory_space<vmem>>) dst(%dma_wait3A_303 : memref<400x128xf32, #tpu.memory_space<hbm>>)
    %dma_start3A_304 = arith.constant 5600 : i32
    %dma_start3A_305 = tpu.memref_slice %arg5[%dma_start3A_304] : memref<6400xi32, #tpu.memory_space<vmem>> -> memref<400xi32, #tpu.memory_space<vmem>>
    %dma_start3A_306 = arith.constant 0 : i32
    %dma_start3A_307 = arith.constant 0 : i32
    %dma_start3A_308 = tpu.memref_slice %arg2[%dma_start3A_306, %dma_start3A_307] : memref<100000x128xf32, #tpu.memory_space<hbm>> -> memref<100000x128xf32, #tpu.memory_space<hbm>>
    tpu.enqueue_indirect_dma source(%dma_start3A_308 : memref<100000x128xf32, #tpu.memory_space<hbm>>) target(%arg6 : memref<400x128xf32, #tpu.memory_space<vmem>>) offsets(%dma_start3A_305 : memref<400xi32, #tpu.memory_space<vmem>>) semaphore(%arg9 : memref<!tpu.dma_semaphore, #tpu.memory_space<semaphore_mem>>)
    %dma_wait3A_309 = arith.constant 5200 : i32
    %dma_wait3A_310 = tpu.memref_slice %arg5[%dma_wait3A_309] : memref<6400xi32, #tpu.memory_space<vmem>> -> memref<400xi32, #tpu.memory_space<vmem>>
    %dma_wait3A_311 = arith.constant 0 : i32
    %dma_wait3A_312 = arith.constant 0 : i32
    %dma_wait3A_313 = tpu.memref_slice %arg2[%dma_wait3A_311, %dma_wait3A_312] : memref<100000x128xf32, #tpu.memory_space<hbm>> -> memref<100000x128xf32, #tpu.memory_space<hbm>>
    tpu.wait_indirect_dma semaphore(%arg10 : memref<!tpu.dma_semaphore, #tpu.memory_space<semaphore_mem>>) src(%dma_wait3A_313 : memref<100000x128xf32, #tpu.memory_space<hbm>>) dst(%arg7 : memref<400x128xf32, #tpu.memory_space<vmem>>)
    %add3A_314 = arith.constant 5200 : i32
    %add3A_315 = arith.addi %mul3A_12, %add3A_314 : i32
    %dma_start3A_316 = arith.constant 0 : i32
    %dma_start3A_317 = tpu.memref_slice %arg4[%add3A_315, %dma_start3A_316] : memref<204800x128xf32, #tpu.memory_space<hbm>> -> memref<400x128xf32, #tpu.memory_space<hbm>>
    %dma_start3A_318 = arith.constant 0 : i32
    %dma_start3A_319 = tpu.memref_slice %arg4[%add3A_315, %dma_start3A_318] : memref<204800x128xf32, #tpu.memory_space<hbm>> -> memref<400x128xf32, #tpu.memory_space<hbm>>
    tpu.enqueue_dma source(%arg7 : memref<400x128xf32, #tpu.memory_space<vmem>>) target(%dma_start3A_319 : memref<400x128xf32, #tpu.memory_space<hbm>>) target_semaphore(%arg12 : memref<!tpu.dma_semaphore, #tpu.memory_space<semaphore_mem>>)
    %add3A_320 = arith.constant 5200 : i32
    %add3A_321 = arith.addi %mul3A_12, %add3A_320 : i32
    %dma_wait3A_322 = arith.constant 0 : i32
    %dma_wait3A_323 = tpu.memref_slice %arg4[%add3A_321, %dma_wait3A_322] : memref<204800x128xf32, #tpu.memory_space<hbm>> -> memref<400x128xf32, #tpu.memory_space<hbm>>
    %dma_wait3A_324 = arith.constant 0 : i32
    %dma_wait3A_325 = tpu.memref_slice %arg4[%add3A_321, %dma_wait3A_324] : memref<204800x128xf32, #tpu.memory_space<hbm>> -> memref<400x128xf32, #tpu.memory_space<hbm>>
    tpu.wait_dma2 semaphore(%arg12 : memref<!tpu.dma_semaphore, #tpu.memory_space<semaphore_mem>>) src(%arg7 : memref<400x128xf32, #tpu.memory_space<vmem>>) dst(%dma_wait3A_325 : memref<400x128xf32, #tpu.memory_space<hbm>>)
    %dma_start3A_326 = arith.constant 6000 : i32
    %dma_start3A_327 = tpu.memref_slice %arg5[%dma_start3A_326] : memref<6400xi32, #tpu.memory_space<vmem>> -> memref<400xi32, #tpu.memory_space<vmem>>
    %dma_start3A_328 = arith.constant 0 : i32
    %dma_start3A_329 = arith.constant 0 : i32
    %dma_start3A_330 = tpu.memref_slice %arg2[%dma_start3A_328, %dma_start3A_329] : memref<100000x128xf32, #tpu.memory_space<hbm>> -> memref<100000x128xf32, #tpu.memory_space<hbm>>
    tpu.enqueue_indirect_dma source(%dma_start3A_330 : memref<100000x128xf32, #tpu.memory_space<hbm>>) target(%arg7 : memref<400x128xf32, #tpu.memory_space<vmem>>) offsets(%dma_start3A_327 : memref<400xi32, #tpu.memory_space<vmem>>) semaphore(%arg10 : memref<!tpu.dma_semaphore, #tpu.memory_space<semaphore_mem>>)
    %dma_wait3A_331 = arith.constant 5600 : i32
    %dma_wait3A_332 = tpu.memref_slice %arg5[%dma_wait3A_331] : memref<6400xi32, #tpu.memory_space<vmem>> -> memref<400xi32, #tpu.memory_space<vmem>>
    %dma_wait3A_333 = arith.constant 0 : i32
    %dma_wait3A_334 = arith.constant 0 : i32
    %dma_wait3A_335 = tpu.memref_slice %arg2[%dma_wait3A_333, %dma_wait3A_334] : memref<100000x128xf32, #tpu.memory_space<hbm>> -> memref<100000x128xf32, #tpu.memory_space<hbm>>
    tpu.wait_indirect_dma semaphore(%arg9 : memref<!tpu.dma_semaphore, #tpu.memory_space<semaphore_mem>>) src(%dma_wait3A_335 : memref<100000x128xf32, #tpu.memory_space<hbm>>) dst(%arg6 : memref<400x128xf32, #tpu.memory_space<vmem>>)
    %add3A_336 = arith.constant 5600 : i32
    %add3A_337 = arith.addi %mul3A_12, %add3A_336 : i32
    %dma_start3A_338 = arith.constant 0 : i32
    %dma_start3A_339 = tpu.memref_slice %arg4[%add3A_337, %dma_start3A_338] : memref<204800x128xf32, #tpu.memory_space<hbm>> -> memref<400x128xf32, #tpu.memory_space<hbm>>
    %dma_start3A_340 = arith.constant 0 : i32
    %dma_start3A_341 = tpu.memref_slice %arg4[%add3A_337, %dma_start3A_340] : memref<204800x128xf32, #tpu.memory_space<hbm>> -> memref<400x128xf32, #tpu.memory_space<hbm>>
    tpu.enqueue_dma source(%arg6 : memref<400x128xf32, #tpu.memory_space<vmem>>) target(%dma_start3A_341 : memref<400x128xf32, #tpu.memory_space<hbm>>) target_semaphore(%arg11 : memref<!tpu.dma_semaphore, #tpu.memory_space<semaphore_mem>>)
    %dma_wait3A_342 = arith.constant 6000 : i32
    %dma_wait3A_343 = tpu.memref_slice %arg5[%dma_wait3A_342] : memref<6400xi32, #tpu.memory_space<vmem>> -> memref<400xi32, #tpu.memory_space<vmem>>
    %dma_wait3A_344 = arith.constant 0 : i32
    %dma_wait3A_345 = arith.constant 0 : i32
    %dma_wait3A_346 = tpu.memref_slice %arg2[%dma_wait3A_344, %dma_wait3A_345] : memref<100000x128xf32, #tpu.memory_space<hbm>> -> memref<100000x128xf32, #tpu.memory_space<hbm>>
    tpu.wait_indirect_dma semaphore(%arg10 : memref<!tpu.dma_semaphore, #tpu.memory_space<semaphore_mem>>) src(%dma_wait3A_346 : memref<100000x128xf32, #tpu.memory_space<hbm>>) dst(%arg7 : memref<400x128xf32, #tpu.memory_space<vmem>>)
    %add3A_347 = arith.constant 6000 : i32
    %add3A_348 = arith.addi %mul3A_12, %add3A_347 : i32
    %dma_start3A_349 = arith.constant 0 : i32
    %dma_start3A_350 = tpu.memref_slice %arg4[%add3A_348, %dma_start3A_349] : memref<204800x128xf32, #tpu.memory_space<hbm>> -> memref<400x128xf32, #tpu.memory_space<hbm>>
    %dma_start3A_351 = arith.constant 0 : i32
    %dma_start3A_352 = tpu.memref_slice %arg4[%add3A_348, %dma_start3A_351] : memref<204800x128xf32, #tpu.memory_space<hbm>> -> memref<400x128xf32, #tpu.memory_space<hbm>>
    tpu.enqueue_dma source(%arg7 : memref<400x128xf32, #tpu.memory_space<vmem>>) target(%dma_start3A_352 : memref<400x128xf32, #tpu.memory_space<hbm>>) target_semaphore(%arg12 : memref<!tpu.dma_semaphore, #tpu.memory_space<semaphore_mem>>)
    %add3A_353 = arith.constant 5600 : i32
    %add3A_354 = arith.addi %mul3A_12, %add3A_353 : i32
    %dma_wait3A_355 = arith.constant 0 : i32
    %dma_wait3A_356 = tpu.memref_slice %arg4[%add3A_354, %dma_wait3A_355] : memref<204800x128xf32, #tpu.memory_space<hbm>> -> memref<400x128xf32, #tpu.memory_space<hbm>>
    %dma_wait3A_357 = arith.constant 0 : i32
    %dma_wait3A_358 = tpu.memref_slice %arg4[%add3A_354, %dma_wait3A_357] : memref<204800x128xf32, #tpu.memory_space<hbm>> -> memref<400x128xf32, #tpu.memory_space<hbm>>
    tpu.wait_dma2 semaphore(%arg11 : memref<!tpu.dma_semaphore, #tpu.memory_space<semaphore_mem>>) src(%arg6 : memref<400x128xf32, #tpu.memory_space<vmem>>) dst(%dma_wait3A_358 : memref<400x128xf32, #tpu.memory_space<hbm>>)
    %add3A_359 = arith.constant 6000 : i32
    %add3A_360 = arith.addi %mul3A_12, %add3A_359 : i32
    %dma_wait3A_361 = arith.constant 0 : i32
    %dma_wait3A_362 = tpu.memref_slice %arg4[%add3A_360, %dma_wait3A_361] : memref<204800x128xf32, #tpu.memory_space<hbm>> -> memref<400x128xf32, #tpu.memory_space<hbm>>
    %dma_wait3A_363 = arith.constant 0 : i32
    %dma_wait3A_364 = tpu.memref_slice %arg4[%add3A_360, %dma_wait3A_363] : memref<204800x128xf32, #tpu.memory_space<hbm>> -> memref<400x128xf32, #tpu.memory_space<hbm>>
    tpu.wait_dma2 semaphore(%arg12 : memref<!tpu.dma_semaphore, #tpu.memory_space<semaphore_mem>>) src(%arg7 : memref<400x128xf32, #tpu.memory_space<vmem>>) dst(%dma_wait3A_364 : memref<400x128xf32, #tpu.memory_space<hbm>>)
    return
  }
}

</mosaic_0001>

<sc_bundles>
// kernel: kernel.3.cloned.1.call-start
scs
__scs_entry_jumppad:
0x0: {  	(pc) =	sbr.rel $0x88, $3  }
0x1: {  	(tag) =	ssettag $0x0;
	lr =	simm.s32 $0x1  }
0x2: {  	[smem:$0x3F9F] =	sst lr;
	_ =	strace $0xD0000000  }
0x3: {  	_ = 	snop  }
0x4: {  	_ = 	snop  }
0x5: {  	_ = 	snop  }
0x6: {  	_ = 	snop  }
0x7: {  	_ = 	snop  }
__scs_overlays_trampoline_lowered:
0x8: {  	[smem:$0x3FAE] =	sst s0  }
0x9: {  	[smem:$0x3FAF] =	sst s1  }
0xa: {  	[smem:$0x3FB0] =	sst s2  }
0xb: {  	[smem:$0x3FB1] =	sst s3  }
0xc: {  	[smem:$0x3FB2] =	sst s4  }
0xd: {  	[smem:$0x3FB3] =	sst s5  }
0xe: {  	[smem:$0x3FB4] =	sst s6  }
0xf: {  	[smem:$0x3FB5] =	sst s7  }
0x10: {  	[smem:$0x3FB6] =	sst s8  }
0x11: {  	[smem:$0x3FB7] =	sst s9;
	s0 =	simm.s32 @!p0 $0x0  }
0x12: {  	s1 =	sld [smem:$0x3F9D];
	s0 =	simm.s32 @p0 $0x1  }
0x13: {  	[smem:$0x3FB8] =	sst s0;
	s0 =	simm.s32 @!p1 $0x0  }
0x14: {  	s2 =	sld [smem:$0x3F9C];
	s0 =	simm.s32 @p1 $0x1  }
0x15: {  	[smem:$0x3FB9] =	sst s0;
	s0 =	simm.s32 @!p2 $0x0  }
0x16: {  	s3 =	sld [smem:$0x3FDB];
	s0 =	simm.s32 @p2 $0x1  }
0x17: {  	s4 =	simm.s32 $0x1BF5;
	[smem:$0x3FBB] =	sst s0  }
0x18: {  	s0 =	sld [smem:$0x3F9E];
	_ =	swait.ge [sflag:s4], $0x0  }
0x19: {  	s7 =	sld [smem:$0x3F9F]  }
0x1a: {  	s8 =	sadd.s32 $0xFFFFE003, lr  }
0x1b: {  	s9 =	sadd.s32 $0xFFFFFEF7, lr;
	s5 =	simm.s32 $0xFFFFFFFF;
	p2 =	slt.u32 s8, $0xFFFFF086  }
0x1c: {  	p1 =	slt.u32 s9, $0xF7A;
	s5 =	simm.s32 @!p2 $0x0  }
0x1d: {  	s5 =	simm.s32 @p1 $0x1;
	p0 =	seq.s32 s7, s2  }
0x1e: {  	s7 =	smul.u32 @!p0 $0xF7A, s2;
	p2 =	seq.s32 @!p0 s5, $0x0  }
0x1f: {  	s9 =	smul.u32 $0xF7A, s1;
	s8 =	simm.s32 @!p0 $0x1BF5;
	p2 =	por !p2, p0  }
0x20: {  	[sflag:s8] =	ssyncset.s32 @!p0 $0xFFFFF086;
	s6 =	sadd.s32 @!p0 s3, s7;
	s7 =	simm.s32 @!p0 $0x108  }
0x21: {  	s3 =	sadd.s32 s3, s9;
	s6 =	sadd.s32 @!p0 $0x88, s6;
	s7 =	simm.s32 @p2 $0x1082  }
0x22: {  	[simem:s7], [sflag:s8] =	dma.local @!p0 [hbm:s6], $0xF7A  }
0x23: {  	s9 =	sor.u32 $0xD0000000, s2;
	s6 =	simm.s32 $0x108;
	_ =	swait.ge @!p0 [sflag:s8], $0x0  }
0x24: {  	s3 =	sadd.s32 $0x88, s3;
	s6 =	simm.s32 @!p1 $0x1082;
	[sflag:s4] =	ssyncset.s32 $0xFFFFF086  }
0x25: {  	[simem:s6], [sflag:s4] =	dma.local [hbm:s3], $0xF7A  }
0x26: {  	[smem:$0x3F9F] =	sst s1;
	(tag) =	ssettag s2;
	_ =	strace s9  }
0x27: {  	s1 =	sld [smem:$0x3FAF]  }
0x28: {  	s2 =	sld [smem:$0x3FB0]  }
0x29: {  	s4 =	sld [smem:$0x3FB2]  }
0x2a: {  	p0 =	seq.s32 s5, $0x0;
	s5 =	sld [smem:$0x3FB3]  }
0x2b: {  	s6 =	sld [smem:$0x3FB4]  }
0x2c: {  	s7 =	sld [smem:$0x3FB5]  }
0x2d: {  	s3 =	simm.s32 $0x108;
	s8 =	sld [smem:$0x3FB6]  }
0x2e: {  	s3 =	simm.s32 @!p0 $0x1082;
	s9 =	sld [smem:$0x3FB7]  }
0x2f: {  	lr =	sadd.s32 s0, s3;
	s0 =	sld [smem:$0x3FAE]  }
0x30: {  	s3 =	sld [smem:$0x3FB1]  }
0x31: {  	[smem:$0x3FBA] =	sst s10  }
0x32: {  	s10 =	sld [smem:$0x3FB8];
	_ =	sdelay $0x3  }
0x33: {  	p0 =	seq.s32 s10, $0x1;
	s10 =	sld [smem:$0x3FBA];
	_ =	sdelay $0x3  }
0x34: {  	[smem:$0x3FBA] =	sst s10  }
0x35: {  	s10 =	sld [smem:$0x3FB9];
	_ =	sdelay $0x3  }
0x36: {  	p1 =	seq.s32 s10, $0x1;
	s10 =	sld [smem:$0x3FBA];
	_ =	sdelay $0x3  }
0x37: {  	[smem:$0x3FBA] =	sst s10  }
0x38: {  	s10 =	sld [smem:$0x3FBB]  }
0x39: {  	_ = 	snop;
	(pc) =	sbr.ind lr, $3  }
0x3a: {  	_ = 	snop  }
0x3b: {  	_ = 	snop  }
0x3c: {  	p2 =	seq.s32 s10, $0x1;
	s10 =	sld [smem:$0x3FBA]  }
0x3d: {  	_ =	shalt  }
0x3e: {  	_ =	shalt  }
0x3f: {  	_ =	shalt  }
0x40: {  	_ =	shalt  }
0x41: {  	_ =	shalt  }
0x42: {  	_ =	shalt  }
0x43: {  	_ =	shalt  }
0x44: {  	_ =	shalt  }
0x45: {  	_ =	shalt  }
0x46: {  	_ =	shalt  }
0x47: {  	_ =	shalt  }
0x48: {  	_ =	shalt  }
0x49: {  	_ =	shalt  }
0x4a: {  	_ =	shalt  }
0x4b: {  	_ =	shalt  }
0x4c: {  	_ =	shalt  }
0x4d: {  	_ =	shalt  }
0x4e: {  	_ =	shalt  }
0x4f: {  	_ =	shalt  }
0x50: {  	_ =	shalt  }
0x51: {  	_ =	shalt  }
0x52: {  	_ =	shalt  }
0x53: {  	_ =	shalt  }
0x54: {  	_ =	shalt  }
0x55: {  	_ =	shalt  }
0x56: {  	_ =	shalt  }
0x57: {  	_ =	shalt  }
0x58: {  	_ =	shalt  }
0x59: {  	_ =	shalt  }
0x5a: {  	_ =	shalt  }
0x5b: {  	_ =	shalt  }
0x5c: {  	_ =	shalt  }
0x5d: {  	_ =	shalt  }
0x5e: {  	_ =	shalt  }
0x5f: {  	_ =	shalt  }
0x60: {  	_ =	shalt  }
0x61: {  	_ =	shalt  }
0x62: {  	_ =	shalt  }
0x63: {  	_ =	shalt  }
0x64: {  	_ =	shalt  }
0x65: {  	_ =	shalt  }
0x66: {  	_ =	shalt  }
0x67: {  	_ =	shalt  }
0x68: {  	_ =	shalt  }
0x69: {  	_ =	shalt  }
0x6a: {  	_ =	shalt  }
0x6b: {  	_ =	shalt  }
0x6c: {  	_ =	shalt  }
0x6d: {  	_ =	shalt  }
0x6e: {  	_ =	shalt  }
0x6f: {  	_ =	shalt  }
0x70: {  	_ =	shalt  }
0x71: {  	_ =	shalt  }
0x72: {  	_ =	shalt  }
0x73: {  	_ =	shalt  }
0x74: {  	_ =	shalt  }
0x75: {  	_ =	shalt  }
0x76: {  	_ =	shalt  }
0x77: {  	_ =	shalt  }
0x78: {  	_ =	shalt  }
0x79: {  	_ =	shalt  }
0x7a: {  	_ =	shalt  }
0x7b: {  	_ =	shalt  }
0x7c: {  	_ =	shalt  }
0x7d: {  	_ =	shalt  }
0x7e: {  	_ =	shalt  }
0x7f: {  	_ =	shalt  }
0x80: {  	_ =	shalt  }
0x81: {  	_ =	shalt  }
0x82: {  	_ =	shalt  }
0x83: {  	_ =	shalt  }
0x84: {  	_ =	shalt  }
0x85: {  	_ =	shalt  }
0x86: {  	_ =	shalt  }
0x87: {  	_ =	shalt  }
.Lfunc_end0:
.L_simem_size_0:
called_computation_lowered:
.L_overlay_start_0:
0x88: {  	s2 =	sld [smem:$0x3FD9]  }
0x89: {  	s3 =	sld [smem:$0x3FFE];
	_ =	sdelay $0x1  }
0x8a: {  	s1 =	srdreg.scid  }
0x8b: {  	s0 =	sand.u32 $0x1, s1  }
0x8c: {  	s17 =	sshll.u32 s0, $0xA;
	s2 =	sadd.s32 s3, s2  }
0x8d: {  	s2 =	sadd.s32 s2, s17  }
0x8e: {  	[smem:$0x3FC6] =	sst s2  }
0x8f: {  	_ = 	snop  }
0x90: {  	s2 =	sld [smem:$0x3FC8]  }
0x91: {  	s18 =	sld [smem:$0x3FD0];
	(tm) =	ssettm $0x1  }
0x92: {  	s4 =	sld [smem:$0x3FFB];
	_ =	sdelay $0x3  }
0x93: {  	_ =	strace s4  }
0x94: {  	s4 =	sld [smem:$0x3FFC];
	_ =	sdelay $0x3  }
0x95: {  	_ =	strace s4  }
0x96: {  	s4 =	sld [smem:$0x3FFD];
	_ =	sdelay $0x3  }
0x97: {  	_ =	strace s4  }
0x98: {  	_ =	strace $0x8FFFFFFF  }
0x99: {  	s19 =	sld [smem:$0x3FDB];
	_ =	sdelay $0x1  }
0x9a: {  	s5 =	simm.s32 $_scs_section_size  }
0x9b: {  	s6 =	simm.s32 $_size__tile_overlayer_lowered;
	s7 =	simm.s32 $_tile_overlayer_lowered  }
0x9c: {  	s22 =	simm.s32 $0x1BFF;
	s21 =	sshll.u32 s7, $0x1;
	s4 =	sadd.s32 s5, s19  }
0x9d: {  	s8 =	simm.s32 $0x0;
	s20 =	sshll.u32 s6, $0x1;
	s6 =	sadd.s32 s21, s4  }
0x9e: {  	[timem:s8], [sflag:s22] =	dma.local [hbm:s6], s20  }
0x9f: {  	_ =	swait.ge [sflag:s22], s20  }
0xa0: {  	s5 =	ssub.s32 $0x0, s20;
	[sflag:s22] =	ssyncset.done $0x0  }
0xa1: {  	[sflag:s22] =	ssyncadd.s32 s5;
	_ =	sdelay $0x1  }
0xa2: {  	s23 =	simm.s32 $0x1B8B  }
0xa3: {  	_ =	swait.ge [sflag:s23], $0x1  }
0xa4: {  	[sflag:s23] =	ssyncset.done $0x0  }
0xa5: {  	s25 =	simm.s32 $0x1B8E;
	s24 =	sld [smem:$0x3FFE];
	[sflag:s23] =	ssyncadd.s32 $0xFFFFFFFF  }
0xa6: {  	s26 =	simm.s32 $execute0_lowered;
	[smem:$0x3FD2] =	sst s25  }
0xa7: {  	s6 =	sshll.u32 s26, $0x1;
	_ =	strace $0x80000046;
	[dreg:$0x1] =	wrdreg $0xFFFFFFFF  }
0xa8: {  	s28 =	simm.s32 $_size_execute0_lowered;
	s4 =	sadd.s32 s4, s6;
	[dreg:$0x0] =	wrdreg $0x0  }
0xa9: {  	s6 =	sshll.u32 s28, $0x1;
	[dreg:$0x2] =	wrdreg s4  }
0xaa: {  	[dreg:$0x3] =	wrdreg s6  }
0xab: {  	[dreg:$0x4] =	wrdreg $0xC0  }
0xac: {  	_ =	task [dreg:s8], $0x5FFFF  }
0xad: {  	[dreg:$0x1] =	wrdreg $0xFFFFFFFF  }
0xae: {  	[dreg:$0x0] =	wrdreg $0x60  }
0xaf: {  	[dreg:$0x2] =	wrdreg s2  }
0xb0: {  	[dreg:$0x3] =	wrdreg s24  }
0xb1: {  	[dreg:$0x4] =	wrdreg s18  }
0xb2: {  	[dreg:$0x5] =	wrdreg $0x9  }
0xb3: {  	_ =	task.clear_ibuf [dreg:s8], $0x6FFFF;
	_ =	strace $0x90000046  }
0xb4: {  	s29 =	simm.s32 $0x9;
	_ =	strace $0x80000048  }
0xb5: {  	_ =	swait.ge [sflag:s29], $0x1  }
0xb6: {  	[sflag:s29] =	ssyncadd.s32 $0xFFFFFFFF  }
0xb7: {  	_ =	strace $0x90000048  }
0xb8: {  	_ =	sfence  }
0xb9: {  	s30 =	sld [smem:$0x0];
	_ =	sdelay $0x2  }
0xba: {  	s31 =	sshll.u32 s1, $0xD;
	s1 =	sshrl.u32 s1, $0x2  }
0xbb: {  	s3 =	sand.u32 $0x4000, s31;
	s1 =	sadd.s32 s1, s30  }
0xbc: {  	s0 =	sor.u32 s3, s0;
	s1 =	sshll.u32 s1, $0x11  }
0xbd: {  	s0 =	sor.u32 s1, s0  }
0xbe: {  	s0 =	sadd.s32 $0x8F2B, s0  }
0xbf: {  	[sflag:s0] =	ssyncadd.remote.s32 $0x1  }
0xc0: {  	_ =	sfence.sel $0xFFFF  }
0xc1: {  	[dreg:$0x0] =	wrdreg $0xFFFFFFFF;
	(pc) =	sbr.abs _section_cstart, $3  }
0xc2: {  	[dreg:$0x1] =	wrdreg $0xFFFFFFFF  }
0xc3: {  	_ =	task.clear_ibuf [dreg:s8], $0x2FFFF;
	_ =	strace $0x9FFFFFFF  }
0xc4: {  	(tm) =	ssettm $0x7FFFFFFF  }
0xc5: {  	_ =	shalt  }
tec
execute0_lowered:
.L_overlay_start_1:
0x0: {  	(tag) =	ssettag $0x1  }
0x1: {  	s2 =	rddreg [dreg:$0x0]  }
0x2: {  	s0 =	srdreg.scid;
	s4 =	rddreg [dreg:$0x1]  }
0x3: {  	s3 =	stileid.u32;
	s6 =	rddreg [dreg:$0x2]  }
0x4: {  	s30 =	simm.s32 $0x80;
	s31 =	simm.s32 $0x400;
	s29 =	simm.s32 $0x1  }
0x5: {  	s10 =	simm.s32 $0x1900;
	s8 =	simm.s32 $0xE100;
	s28 =	simm.s32 $0x320  }
0x6: {  	s0 =	sand.u32 $0x1, s0;
	s1 =	sshll.u32 s3, $0x1;
	s3 =	sshrl.u32 s3, $0x2  }
0x7: {  	s11 =	simm.s32 $0x3;
	s1 =	sor.u32 s0, s1;
	s3 =	smul.u32 $0xC800, s3  }
0x8: {  	p0 =	por $0x0, $0x0;
	s0 =	ssub.s32 $0x2, s0;
	s7 =	smul.u32 $0xC8000, s1  }
0x9: {  	s5 =	sshll.u32 s1, $0x7;
	s1 =	smul.u32 $0x19000, s1;
	s24 =	sshrl.u32 s0, $0x1  }
0xa: {  	s5 =	sand.u32 $0x380, s5;
	s0 =	ssub.s32 s0, s24;
	s24 =	simm.s32 $0x7D0  }
0xb: {  	s5 =	sor.u32 s3, s5;
	s3 =	simm.s32 $0x0;
	s12 =	sshrl.u32 s7, $0x3  }
0xc: {  	s1 =	sadd.s32 s6, s1;
	[smem:$0x7FF] =	sst s3;
	s13 =	sadd.s32 s6, s12  }
0xd: {  	_ =	strace $0x80000047;
	[dreg:$0x5] =	wrdreg s1;
	s14 =	sadd.s32 $0x1900, s13  }
0xe: {  	s0 =	smax.u32 s0, $0x1;
	s15 =	sadd.s32 $0x3200, s13;
	[dreg:$0x6] =	wrdreg s14  }
0xf: {  	s7 =	simm.s32 $0x5;
	s16 =	sadd.s32 $0x4B00, s13;
	[dreg:$0x7] =	wrdreg s15  }
0x10: {  	s5 =	sshrl.u32 s5, $0x3;
	s17 =	sadd.s32 $0x6400, s13;
	[dreg:$0x8] =	wrdreg s16  }
0x11: {  	s12 =	simm.s32 $0x190;
	s18 =	sadd.s32 $0x7D00, s13;
	[dreg:$0x9] =	wrdreg s17  }
0x12: {  	s6 =	simm.s32 $0x4;
	s19 =	sadd.s32 $0x9600, s13;
	[dreg:$0xa] =	wrdreg s18  }
0x13: {  	p1 =	sne.s32 s0, $0x1;
	s20 =	sadd.s32 $0xAF00, s13;
	[dreg:$0xb] =	wrdreg s19  }
0x14: {  	s4 =	sadd.s32 s5, s4;
	s21 =	sadd.s32 $0xC800, s13;
	[dreg:$0xc] =	wrdreg s20  }
0x15: {  	s22 =	sadd.s32 $0xE100, s13;
	s23 =	sadd.s32 $0xFA00, s13;
	[dreg:$0xd] =	wrdreg s21  }
0x16: {  	s25 =	sadd.s32 $0x11300, s13;
	s26 =	sadd.s32 $0x12C00, s13;
	[dreg:$0xe] =	wrdreg s22  }
0x17: {  	s9 =	sadd.s32 $0x14500, s13;
	s5 =	sadd.s32 $0x15E00, s13;
	[dreg:$0xf] =	wrdreg s23  }
0x18: {  	s1 =	sadd.s32 $0xFFFFFFFF, s0;
	s4 =	sadd.s32 $0x400, s4;
	[dreg:$0x10] =	wrdreg s25  }
0x19: {  	[dreg:$0x11] =	wrdreg s26;
	s26 =	simm.s32 $0x4B0;
	s25 =	simm.s32 $0x640  }
.Ltmp0:
0x1a: {  	s23 =	simm.s32 $0x960;
	s22 =	simm.s32 $0xAF0;
	(pc) =	sbr.rel @!p1 .LBB2_3-.Ltmp0, $4  }
0x1b: {  	s21 =	simm.s32 $0xC80;
	s20 =	simm.s32 $0xE10;
	s19 =	simm.s32 $0xFA0  }
0x1c: {  	s18 =	simm.s32 $0x1130;
	s17 =	simm.s32 $0x12C0;
	s16 =	simm.s32 $0x1450  }
0x1d: {  	s15 =	simm.s32 $0x15E0;
	s14 =	simm.s32 $0x1770;
	[dreg:$0x4] =	wrdreg s4  }
0x1e: {  	s4 =	sadd.s32 $0x17700, s13;
	s13 =	simm.s32 $0x2;
	s0 =	rddreg [dreg:$0x4]  }
0x1f: {  	[tilespmem:s3], [sflag:$0x1] =	stream.strided.gather [hbm4b:s0+s30], $0x1900, s31, s30, $0x38;
	[tilespmem:$0x1A900] =	vst v63  }
0x20: {  	_ =	swait.ge [sflag:s29], $0x1900  }
0x21: {  	[sflag:s29] =	ssyncset.done $0x0  }
0x22: {  	[sflag:s29] =	ssyncadd.s32 $0xFFFFE700  }
0x23: {  	[tilespmem:s10], [sflag:$0x2] =	stream.indirect.gather [hbm4b:s2+s12], $0x80, s3, s12, $0xb8;
	[tilespmem:$0x1A900] =	vst v63  }
0x24: {  	_ = 	snop  }
0x25: {  	[tilespmem:s8], [sflag:$0x3] =	stream.indirect.gather [hbm4b:s2+s12], $0x80, s12, s12, $0xb8;
	[tilespmem:$0x1A900] =	vst v63  }
0x26: {  	_ =	swait.ge [sflag:s13], $0xC800  }
0x27: {  	[sflag:s13] =	ssyncset.done $0x0  }
0x28: {  	s0 =	rddreg [dreg:$0x5];
	[sflag:s13] =	ssyncadd.s32 $0xFFFF3800  }
0x29: {  	[hbm4b:s0+s3] =	stream.linear.scatter [tilespmem:s10], [sflag:$0x4], $0xC800, $0x38;
	[tilespmem:$0x1A900] =	vst v63  }
0x2a: {  	_ =	swait.ge [sflag:s6], $0xC800  }
0x2b: {  	[sflag:s6] =	ssyncset.done $0x0  }
0x2c: {  	[sflag:s6] =	ssyncadd.s32 $0xFFFF3800  }
0x2d: {  	[tilespmem:s10], [sflag:$0x2] =	stream.indirect.gather [hbm4b:s2+s12], $0x80, s28, s12, $0xb8;
	[tilespmem:$0x1A900] =	vst v63  }
0x2e: {  	_ =	swait.ge [sflag:s11], $0xC800  }
0x2f: {  	[sflag:s11] =	ssyncset.done $0x0  }
0x30: {  	s0 =	rddreg [dreg:$0x6];
	[sflag:s11] =	ssyncadd.s32 $0xFFFF3800  }
0x31: {  	[hbm4b:s0+s3] =	stream.linear.scatter [tilespmem:s8], [sflag:$0x5], $0xC800, $0x38;
	[tilespmem:$0x1A900] =	vst v63  }
0x32: {  	_ =	swait.ge [sflag:s7], $0xC800  }
0x33: {  	[sflag:s7] =	ssyncset.done $0x0  }
0x34: {  	[sflag:s7] =	ssyncadd.s32 $0xFFFF3800  }
0x35: {  	[tilespmem:s8], [sflag:$0x3] =	stream.indirect.gather [hbm4b:s2+s12], $0x80, s26, s12, $0xb8;
	[tilespmem:$0x1A900] =	vst v63  }
0x36: {  	_ =	swait.ge [sflag:s13], $0xC800  }
0x37: {  	[sflag:s13] =	ssyncset.done $0x0  }
0x38: {  	s0 =	rddreg [dreg:$0x7];
	[sflag:s13] =	ssyncadd.s32 $0xFFFF3800  }
0x39: {  	[hbm4b:s0+s3] =	stream.linear.scatter [tilespmem:s10], [sflag:$0x4], $0xC800, $0x38;
	[tilespmem:$0x1A900] =	vst v63  }
0x3a: {  	_ =	swait.ge [sflag:s6], $0xC800  }
0x3b: {  	[sflag:s6] =	ssyncset.done $0x0  }
0x3c: {  	[sflag:s6] =	ssyncadd.s32 $0xFFFF3800  }
0x3d: {  	[tilespmem:s10], [sflag:$0x2] =	stream.indirect.gather [hbm4b:s2+s12], $0x80, s25, s12, $0xb8;
	[tilespmem:$0x1A900] =	vst v63  }
0x3e: {  	_ =	swait.ge [sflag:s11], $0xC800  }
0x3f: {  	[sflag:s11] =	ssyncset.done $0x0  }
0x40: {  	s0 =	rddreg [dreg:$0x8];
	[sflag:s11] =	ssyncadd.s32 $0xFFFF3800  }
0x41: {  	[hbm4b:s0+s3] =	stream.linear.scatter [tilespmem:s8], [sflag:$0x5], $0xC800, $0x38;
	[tilespmem:$0x1A900] =	vst v63  }
0x42: {  	_ =	swait.ge [sflag:s7], $0xC800  }
0x43: {  	[sflag:s7] =	ssyncset.done $0x0  }
0x44: {  	[sflag:s7] =	ssyncadd.s32 $0xFFFF3800  }
0x45: {  	[tilespmem:s8], [sflag:$0x3] =	stream.indirect.gather [hbm4b:s2+s12], $0x80, s24, s12, $0xb8;
	[tilespmem:$0x1A900] =	vst v63  }
0x46: {  	_ =	swait.ge [sflag:s13], $0xC800  }
0x47: {  	[sflag:s13] =	ssyncset.done $0x0  }
0x48: {  	s0 =	rddreg [dreg:$0x9];
	[sflag:s13] =	ssyncadd.s32 $0xFFFF3800  }
0x49: {  	[hbm4b:s0+s3] =	stream.linear.scatter [tilespmem:s10], [sflag:$0x4], $0xC800, $0x38;
	[tilespmem:$0x1A900] =	vst v63  }
0x4a: {  	_ =	swait.ge [sflag:s6], $0xC800  }
0x4b: {  	[sflag:s6] =	ssyncset.done $0x0  }
0x4c: {  	[sflag:s6] =	ssyncadd.s32 $0xFFFF3800  }
0x4d: {  	[tilespmem:s10], [sflag:$0x2] =	stream.indirect.gather [hbm4b:s2+s12], $0x80, s23, s12, $0xb8;
	[tilespmem:$0x1A900] =	vst v63  }
0x4e: {  	_ =	swait.ge [sflag:s11], $0xC800  }
0x4f: {  	[sflag:s11] =	ssyncset.done $0x0  }
0x50: {  	s0 =	rddreg [dreg:$0xa];
	[sflag:s11] =	ssyncadd.s32 $0xFFFF3800  }
0x51: {  	[hbm4b:s0+s3] =	stream.linear.scatter [tilespmem:s8], [sflag:$0x5], $0xC800, $0x38;
	[tilespmem:$0x1A900] =	vst v63  }
0x52: {  	_ =	swait.ge [sflag:s7], $0xC800  }
0x53: {  	[sflag:s7] =	ssyncset.done $0x0  }
0x54: {  	[sflag:s7] =	ssyncadd.s32 $0xFFFF3800  }
0x55: {  	[tilespmem:s8], [sflag:$0x3] =	stream.indirect.gather [hbm4b:s2+s12], $0x80, s22, s12, $0xb8;
	[tilespmem:$0x1A900] =	vst v63  }
0x56: {  	_ =	swait.ge [sflag:s13], $0xC800  }
0x57: {  	[sflag:s13] =	ssyncset.done $0x0  }
0x58: {  	s0 =	rddreg [dreg:$0xb];
	[sflag:s13] =	ssyncadd.s32 $0xFFFF3800  }
0x59: {  	[hbm4b:s0+s3] =	stream.linear.scatter [tilespmem:s10], [sflag:$0x4], $0xC800, $0x38;
	[tilespmem:$0x1A900] =	vst v63  }
0x5a: {  	_ =	swait.ge [sflag:s6], $0xC800  }
0x5b: {  	[sflag:s6] =	ssyncset.done $0x0  }
0x5c: {  	[sflag:s6] =	ssyncadd.s32 $0xFFFF3800  }
0x5d: {  	[tilespmem:s10], [sflag:$0x2] =	stream.indirect.gather [hbm4b:s2+s12], $0x80, s21, s12, $0xb8;
	[tilespmem:$0x1A900] =	vst v63  }
0x5e: {  	_ =	swait.ge [sflag:s11], $0xC800  }
0x5f: {  	[sflag:s11] =	ssyncset.done $0x0  }
0x60: {  	s0 =	rddreg [dreg:$0xc];
	[sflag:s11] =	ssyncadd.s32 $0xFFFF3800  }
0x61: {  	[hbm4b:s0+s3] =	stream.linear.scatter [tilespmem:s8], [sflag:$0x5], $0xC800, $0x38;
	[tilespmem:$0x1A900] =	vst v63  }
0x62: {  	_ =	swait.ge [sflag:s7], $0xC800  }
0x63: {  	[sflag:s7] =	ssyncset.done $0x0  }
0x64: {  	[sflag:s7] =	ssyncadd.s32 $0xFFFF3800  }
0x65: {  	[tilespmem:s8], [sflag:$0x3] =	stream.indirect.gather [hbm4b:s2+s12], $0x80, s20, s12, $0xb8;
	[tilespmem:$0x1A900] =	vst v63  }
0x66: {  	_ =	swait.ge [sflag:s13], $0xC800  }
0x67: {  	[sflag:s13] =	ssyncset.done $0x0  }
0x68: {  	s0 =	rddreg [dreg:$0xd];
	[sflag:s13] =	ssyncadd.s32 $0xFFFF3800  }
0x69: {  	[hbm4b:s0+s3] =	stream.linear.scatter [tilespmem:s10], [sflag:$0x4], $0xC800, $0x38;
	[tilespmem:$0x1A900] =	vst v63  }
0x6a: {  	_ =	swait.ge [sflag:s6], $0xC800  }
0x6b: {  	[sflag:s6] =	ssyncset.done $0x0  }
0x6c: {  	[sflag:s6] =	ssyncadd.s32 $0xFFFF3800  }
0x6d: {  	[tilespmem:s10], [sflag:$0x2] =	stream.indirect.gather [hbm4b:s2+s12], $0x80, s19, s12, $0xb8;
	[tilespmem:$0x1A900] =	vst v63  }
0x6e: {  	_ =	swait.ge [sflag:s11], $0xC800  }
0x6f: {  	[sflag:s11] =	ssyncset.done $0x0  }
0x70: {  	s0 =	rddreg [dreg:$0xe];
	[sflag:s11] =	ssyncadd.s32 $0xFFFF3800  }
0x71: {  	[hbm4b:s0+s3] =	stream.linear.scatter [tilespmem:s8], [sflag:$0x5], $0xC800, $0x38;
	[tilespmem:$0x1A900] =	vst v63  }
0x72: {  	_ =	swait.ge [sflag:s7], $0xC800  }
0x73: {  	[sflag:s7] =	ssyncset.done $0x0  }
0x74: {  	[sflag:s7] =	ssyncadd.s32 $0xFFFF3800  }
0x75: {  	[tilespmem:s8], [sflag:$0x3] =	stream.indirect.gather [hbm4b:s2+s12], $0x80, s18, s12, $0xb8;
	[tilespmem:$0x1A900] =	vst v63  }
0x76: {  	_ =	swait.ge [sflag:s13], $0xC800  }
0x77: {  	[sflag:s13] =	ssyncset.done $0x0  }
0x78: {  	s0 =	rddreg [dreg:$0xf];
	[sflag:s13] =	ssyncadd.s32 $0xFFFF3800  }
0x79: {  	[hbm4b:s0+s3] =	stream.linear.scatter [tilespmem:s10], [sflag:$0x4], $0xC800, $0x38;
	[tilespmem:$0x1A900] =	vst v63  }
0x7a: {  	_ =	swait.ge [sflag:s6], $0xC800  }
0x7b: {  	[sflag:s6] =	ssyncset.done $0x0  }
0x7c: {  	[sflag:s6] =	ssyncadd.s32 $0xFFFF3800  }
0x7d: {  	[tilespmem:s10], [sflag:$0x2] =	stream.indirect.gather [hbm4b:s2+s12], $0x80, s17, s12, $0xb8;
	[tilespmem:$0x1A900] =	vst v63  }
0x7e: {  	_ =	swait.ge [sflag:s11], $0xC800  }
0x7f: {  	[sflag:s11] =	ssyncset.done $0x0  }
0x80: {  	s0 =	rddreg [dreg:$0x10];
	[sflag:s11] =	ssyncadd.s32 $0xFFFF3800  }
0x81: {  	[hbm4b:s0+s3] =	stream.linear.scatter [tilespmem:s8], [sflag:$0x5], $0xC800, $0x38;
	[tilespmem:$0x1A900] =	vst v63  }
0x82: {  	_ =	swait.ge [sflag:s7], $0xC800  }
0x83: {  	[sflag:s7] =	ssyncset.done $0x0  }
0x84: {  	[sflag:s7] =	ssyncadd.s32 $0xFFFF3800  }
0x85: {  	[tilespmem:s8], [sflag:$0x3] =	stream.indirect.gather [hbm4b:s2+s12], $0x80, s16, s12, $0xb8;
	[tilespmem:$0x1A900] =	vst v63  }
0x86: {  	_ =	swait.ge [sflag:s13], $0xC800  }
0x87: {  	[sflag:s13] =	ssyncset.done $0x0  }
0x88: {  	s0 =	rddreg [dreg:$0x11];
	[sflag:s13] =	ssyncadd.s32 $0xFFFF3800  }
0x89: {  	[hbm4b:s0+s3] =	stream.linear.scatter [tilespmem:s10], [sflag:$0x4], $0xC800, $0x38;
	[tilespmem:$0x1A900] =	vst v63  }
0x8a: {  	_ =	swait.ge [sflag:s6], $0xC800  }
0x8b: {  	[sflag:s6] =	ssyncset.done $0x0  }
0x8c: {  	[sflag:s6] =	ssyncadd.s32 $0xFFFF3800  }
0x8d: {  	[tilespmem:s10], [sflag:$0x2] =	stream.indirect.gather [hbm4b:s2+s12], $0x80, s15, s12, $0xb8;
	[tilespmem:$0x1A900] =	vst v63  }
0x8e: {  	_ =	swait.ge [sflag:s11], $0xC800  }
0x8f: {  	[sflag:s11] =	ssyncset.done $0x0  }
0x90: {  	[sflag:s11] =	ssyncadd.s32 $0xFFFF3800  }
0x91: {  	[hbm4b:s9+s3] =	stream.linear.scatter [tilespmem:s8], [sflag:$0x5], $0xC800, $0x38;
	[tilespmem:$0x1A900] =	vst v63  }
0x92: {  	_ =	swait.ge [sflag:s7], $0xC800  }
0x93: {  	[sflag:s7] =	ssyncset.done $0x0  }
0x94: {  	[sflag:s7] =	ssyncadd.s32 $0xFFFF3800  }
0x95: {  	[tilespmem:s8], [sflag:$0x3] =	stream.indirect.gather [hbm4b:s2+s12], $0x80, s14, s12, $0xb8;
	[tilespmem:$0x1A900] =	vst v63  }
0x96: {  	_ =	swait.ge [sflag:s13], $0xC800  }
0x97: {  	[sflag:s13] =	ssyncset.done $0x0  }
0x98: {  	[sflag:s13] =	ssyncadd.s32 $0xFFFF3800  }
0x99: {  	[hbm4b:s5+s3] =	stream.linear.scatter [tilespmem:s10], [sflag:$0x4], $0xC800, $0x38;
	[tilespmem:$0x1A900] =	vst v63  }
0x9a: {  	_ =	swait.ge [sflag:s11], $0xC800  }
0x9b: {  	[sflag:s11] =	ssyncset.done $0x0  }
0x9c: {  	p1 =	sne.s32 s1, $0x1;
	[sflag:s11] =	ssyncadd.s32 $0xFFFF3800  }
0x9d: {  	[hbm4b:s4+s3] =	stream.linear.scatter [tilespmem:s8], [sflag:$0x5], $0xC800, $0x38;
	[tilespmem:$0x1A900] =	vst v63  }
.Ltmp1:
0x9e: {  	_ =	swait.ge [sflag:s6], $0xC800;
	(pc) =	sbr.rel @!p1 .LBB2_3-.Ltmp1, $4  }
0x9f: {  	[sflag:s6] =	ssyncset.done $0x0  }
0xa0: {  	[sflag:s6] =	ssyncadd.s32 $0xFFFF3800  }
0xa1: {  	s1 =	sadd.s32 $0xFFFFFFFF, s1;
	_ =	swait.ge [sflag:s7], $0xC800  }
0xa2: {  	p0 =	por $0x1, $0x1;
	s0 =	rddreg [dreg:$0x4];
	[sflag:s7] =	ssyncset.done $0x0  }
.LBB2_2:
0xa3: {  	[sflag:s7] =	ssyncadd.s32 $0xFFFF3800  }
0xa4: {  	[tilespmem:s3], [sflag:$0x1] =	stream.strided.gather [hbm4b:s0+s30], $0x1900, s31, s30, $0x38;
	[tilespmem:$0x1A900] =	vst v63  }
0xa5: {  	_ =	swait.ge [sflag:s29], $0x1900  }
0xa6: {  	[sflag:s29] =	ssyncset.done $0x0  }
0xa7: {  	[sflag:s29] =	ssyncadd.s32 $0xFFFFE700  }
0xa8: {  	[tilespmem:s10], [sflag:$0x2] =	stream.indirect.gather [hbm4b:s2+s12], $0x80, s3, s12, $0xb8;
	[tilespmem:$0x1A900] =	vst v63  }
0xa9: {  	_ = 	snop  }
0xaa: {  	[tilespmem:s8], [sflag:$0x3] =	stream.indirect.gather [hbm4b:s2+s12], $0x80, s12, s12, $0xb8;
	[tilespmem:$0x1A900] =	vst v63  }
0xab: {  	_ =	swait.ge [sflag:s13], $0xC800  }
0xac: {  	[sflag:s13] =	ssyncset.done $0x0  }
0xad: {  	s0 =	rddreg [dreg:$0x5];
	[sflag:s13] =	ssyncadd.s32 $0xFFFF3800  }
0xae: {  	[hbm4b:s0+s3] =	stream.linear.scatter [tilespmem:s10], [sflag:$0x4], $0xC800, $0x38;
	[tilespmem:$0x1A900] =	vst v63  }
0xaf: {  	_ =	swait.ge [sflag:s6], $0xC800  }
0xb0: {  	[sflag:s6] =	ssyncset.done $0x0  }
0xb1: {  	[sflag:s6] =	ssyncadd.s32 $0xFFFF3800  }
0xb2: {  	[tilespmem:s10], [sflag:$0x2] =	stream.indirect.gather [hbm4b:s2+s12], $0x80, s28, s12, $0xb8;
	[tilespmem:$0x1A900] =	vst v63  }
0xb3: {  	_ =	swait.ge [sflag:s11], $0xC800  }
0xb4: {  	[sflag:s11] =	ssyncset.done $0x0  }
0xb5: {  	s0 =	rddreg [dreg:$0x6];
	[sflag:s11] =	ssyncadd.s32 $0xFFFF3800  }
0xb6: {  	[hbm4b:s0+s3] =	stream.linear.scatter [tilespmem:s8], [sflag:$0x5], $0xC800, $0x38;
	[tilespmem:$0x1A900] =	vst v63  }
0xb7: {  	_ =	swait.ge [sflag:s7], $0xC800  }
0xb8: {  	[sflag:s7] =	ssyncset.done $0x0  }
0xb9: {  	[sflag:s7] =	ssyncadd.s32 $0xFFFF3800  }
0xba: {  	[tilespmem:s8], [sflag:$0x3] =	stream.indirect.gather [hbm4b:s2+s12], $0x80, s26, s12, $0xb8;
	[tilespmem:$0x1A900] =	vst v63  }
0xbb: {  	_ =	swait.ge [sflag:s13], $0xC800  }
0xbc: {  	[sflag:s13] =	ssyncset.done $0x0  }
0xbd: {  	s0 =	rddreg [dreg:$0x7];
	[sflag:s13] =	ssyncadd.s32 $0xFFFF3800  }
0xbe: {  	[hbm4b:s0+s3] =	stream.linear.scatter [tilespmem:s10], [sflag:$0x4], $0xC800, $0x38;
	[tilespmem:$0x1A900] =	vst v63  }
0xbf: {  	_ =	swait.ge [sflag:s6], $0xC800  }
0xc0: {  	[sflag:s6] =	ssyncset.done $0x0  }
0xc1: {  	[sflag:s6] =	ssyncadd.s32 $0xFFFF3800  }
0xc2: {  	[tilespmem:s10], [sflag:$0x2] =	stream.indirect.gather [hbm4b:s2+s12], $0x80, s25, s12, $0xb8;
	[tilespmem:$0x1A900] =	vst v63  }
0xc3: {  	_ =	swait.ge [sflag:s11], $0xC800  }
0xc4: {  	[sflag:s11] =	ssyncset.done $0x0  }
0xc5: {  	s0 =	rddreg [dreg:$0x8];
	[sflag:s11] =	ssyncadd.s32 $0xFFFF3800  }
0xc6: {  	[hbm4b:s0+s3] =	stream.linear.scatter [tilespmem:s8], [sflag:$0x5], $0xC800, $0x38;
	[tilespmem:$0x1A900] =	vst v63  }
0xc7: {  	_ =	swait.ge [sflag:s7], $0xC800  }
0xc8: {  	[sflag:s7] =	ssyncset.done $0x0  }
0xc9: {  	[sflag:s7] =	ssyncadd.s32 $0xFFFF3800  }
0xca: {  	[tilespmem:s8], [sflag:$0x3] =	stream.indirect.gather [hbm4b:s2+s12], $0x80, s24, s12, $0xb8;
	[tilespmem:$0x1A900] =	vst v63  }
0xcb: {  	_ =	swait.ge [sflag:s13], $0xC800  }
0xcc: {  	[sflag:s13] =	ssyncset.done $0x0  }
0xcd: {  	s0 =	rddreg [dreg:$0x9];
	[sflag:s13] =	ssyncadd.s32 $0xFFFF3800  }
0xce: {  	[hbm4b:s0+s3] =	stream.linear.scatter [tilespmem:s10], [sflag:$0x4], $0xC800, $0x38;
	[tilespmem:$0x1A900] =	vst v63  }
0xcf: {  	_ =	swait.ge [sflag:s6], $0xC800  }
0xd0: {  	[sflag:s6] =	ssyncset.done $0x0  }
0xd1: {  	[sflag:s6] =	ssyncadd.s32 $0xFFFF3800  }
0xd2: {  	[tilespmem:s10], [sflag:$0x2] =	stream.indirect.gather [hbm4b:s2+s12], $0x80, s23, s12, $0xb8;
	[tilespmem:$0x1A900] =	vst v63  }
0xd3: {  	_ =	swait.ge [sflag:s11], $0xC800  }
0xd4: {  	[sflag:s11] =	ssyncset.done $0x0  }
0xd5: {  	s0 =	rddreg [dreg:$0xa];
	[sflag:s11] =	ssyncadd.s32 $0xFFFF3800  }
0xd6: {  	[hbm4b:s0+s3] =	stream.linear.scatter [tilespmem:s8], [sflag:$0x5], $0xC800, $0x38;
	[tilespmem:$0x1A900] =	vst v63  }
0xd7: {  	_ =	swait.ge [sflag:s7], $0xC800  }
0xd8: {  	[sflag:s7] =	ssyncset.done $0x0  }
0xd9: {  	[sflag:s7] =	ssyncadd.s32 $0xFFFF3800  }
0xda: {  	[tilespmem:s8], [sflag:$0x3] =	stream.indirect.gather [hbm4b:s2+s12], $0x80, s22, s12, $0xb8;
	[tilespmem:$0x1A900] =	vst v63  }
0xdb: {  	_ =	swait.ge [sflag:s13], $0xC800  }
0xdc: {  	[sflag:s13] =	ssyncset.done $0x0  }
0xdd: {  	s0 =	rddreg [dreg:$0xb];
	[sflag:s13] =	ssyncadd.s32 $0xFFFF3800  }
0xde: {  	[hbm4b:s0+s3] =	stream.linear.scatter [tilespmem:s10], [sflag:$0x4], $0xC800, $0x38;
	[tilespmem:$0x1A900] =	vst v63  }
0xdf: {  	_ =	swait.ge [sflag:s6], $0xC800  }
0xe0: {  	[sflag:s6] =	ssyncset.done $0x0  }
0xe1: {  	[sflag:s6] =	ssyncadd.s32 $0xFFFF3800  }
0xe2: {  	[tilespmem:s10], [sflag:$0x2] =	stream.indirect.gather [hbm4b:s2+s12], $0x80, s21, s12, $0xb8;
	[tilespmem:$0x1A900] =	vst v63  }
0xe3: {  	_ =	swait.ge [sflag:s11], $0xC800  }
0xe4: {  	[sflag:s11] =	ssyncset.done $0x0  }
0xe5: {  	s0 =	rddreg [dreg:$0xc];
	[sflag:s11] =	ssyncadd.s32 $0xFFFF3800  }
0xe6: {  	[hbm4b:s0+s3] =	stream.linear.scatter [tilespmem:s8], [sflag:$0x5], $0xC800, $0x38;
	[tilespmem:$0x1A900] =	vst v63  }
0xe7: {  	_ =	swait.ge [sflag:s7], $0xC800  }
0xe8: {  	[sflag:s7] =	ssyncset.done $0x0  }
0xe9: {  	[sflag:s7] =	ssyncadd.s32 $0xFFFF3800  }
0xea: {  	[tilespmem:s8], [sflag:$0x3] =	stream.indirect.gather [hbm4b:s2+s12], $0x80, s20, s12, $0xb8;
	[tilespmem:$0x1A900] =	vst v63  }
0xeb: {  	_ =	swait.ge [sflag:s13], $0xC800  }
0xec: {  	[sflag:s13] =	ssyncset.done $0x0  }
0xed: {  	s0 =	rddreg [dreg:$0xd];
	[sflag:s13] =	ssyncadd.s32 $0xFFFF3800  }
0xee: {  	[hbm4b:s0+s3] =	stream.linear.scatter [tilespmem:s10], [sflag:$0x4], $0xC800, $0x38;
	[tilespmem:$0x1A900] =	vst v63  }
0xef: {  	_ =	swait.ge [sflag:s6], $0xC800  }
0xf0: {  	[sflag:s6] =	ssyncset.done $0x0  }
0xf1: {  	[sflag:s6] =	ssyncadd.s32 $0xFFFF3800  }
0xf2: {  	[tilespmem:s10], [sflag:$0x2] =	stream.indirect.gather [hbm4b:s2+s12], $0x80, s19, s12, $0xb8;
	[tilespmem:$0x1A900] =	vst v63  }
0xf3: {  	_ =	swait.ge [sflag:s11], $0xC800  }
0xf4: {  	[sflag:s11] =	ssyncset.done $0x0  }
0xf5: {  	s0 =	rddreg [dreg:$0xe];
	[sflag:s11] =	ssyncadd.s32 $0xFFFF3800  }
0xf6: {  	[hbm4b:s0+s3] =	stream.linear.scatter [tilespmem:s8], [sflag:$0x5], $0xC800, $0x38;
	[tilespmem:$0x1A900] =	vst v63  }
0xf7: {  	_ =	swait.ge [sflag:s7], $0xC800  }
0xf8: {  	[sflag:s7] =	ssyncset.done $0x0  }
0xf9: {  	[sflag:s7] =	ssyncadd.s32 $0xFFFF3800  }
0xfa: {  	[tilespmem:s8], [sflag:$0x3] =	stream.indirect.gather [hbm4b:s2+s12], $0x80, s18, s12, $0xb8;
	[tilespmem:$0x1A900] =	vst v63  }
0xfb: {  	_ =	swait.ge [sflag:s13], $0xC800  }
0xfc: {  	[sflag:s13] =	ssyncset.done $0x0  }
0xfd: {  	s0 =	rddreg [dreg:$0xf];
	[sflag:s13] =	ssyncadd.s32 $0xFFFF3800  }
0xfe: {  	[hbm4b:s0+s3] =	stream.linear.scatter [tilespmem:s10], [sflag:$0x4], $0xC800, $0x38;
	[tilespmem:$0x1A900] =	vst v63  }
0xff: {  	_ =	swait.ge [sflag:s6], $0xC800  }
0x100: {  	[sflag:s6] =	ssyncset.done $0x0  }
0x101: {  	[sflag:s6] =	ssyncadd.s32 $0xFFFF3800  }
0x102: {  	[tilespmem:s10], [sflag:$0x2] =	stream.indirect.gather [hbm4b:s2+s12], $0x80, s17, s12, $0xb8;
	[tilespmem:$0x1A900] =	vst v63  }
0x103: {  	_ =	swait.ge [sflag:s11], $0xC800  }
0x104: {  	[sflag:s11] =	ssyncset.done $0x0  }
0x105: {  	s0 =	rddreg [dreg:$0x10];
	[sflag:s11] =	ssyncadd.s32 $0xFFFF3800  }
0x106: {  	[hbm4b:s0+s3] =	stream.linear.scatter [tilespmem:s8], [sflag:$0x5], $0xC800, $0x38;
	[tilespmem:$0x1A900] =	vst v63  }
0x107: {  	_ =	swait.ge [sflag:s7], $0xC800  }
0x108: {  	[sflag:s7] =	ssyncset.done $0x0  }
0x109: {  	[sflag:s7] =	ssyncadd.s32 $0xFFFF3800  }
0x10a: {  	[tilespmem:s8], [sflag:$0x3] =	stream.indirect.gather [hbm4b:s2+s12], $0x80, s16, s12, $0xb8;
	[tilespmem:$0x1A900] =	vst v63  }
0x10b: {  	_ =	swait.ge [sflag:s13], $0xC800  }
0x10c: {  	[sflag:s13] =	ssyncset.done $0x0  }
0x10d: {  	s0 =	rddreg [dreg:$0x11];
	[sflag:s13] =	ssyncadd.s32 $0xFFFF3800  }
0x10e: {  	[hbm4b:s0+s3] =	stream.linear.scatter [tilespmem:s10], [sflag:$0x4], $0xC800, $0x38;
	[tilespmem:$0x1A900] =	vst v63  }
0x10f: {  	_ =	swait.ge [sflag:s6], $0xC800  }
0x110: {  	[sflag:s6] =	ssyncset.done $0x0  }
0x111: {  	[sflag:s6] =	ssyncadd.s32 $0xFFFF3800  }
0x112: {  	[tilespmem:s10], [sflag:$0x2] =	stream.indirect.gather [hbm4b:s2+s12], $0x80, s15, s12, $0xb8;
	[tilespmem:$0x1A900] =	vst v63  }
0x113: {  	_ =	swait.ge [sflag:s11], $0xC800  }
0x114: {  	[sflag:s11] =	ssyncset.done $0x0  }
0x115: {  	[sflag:s11] =	ssyncadd.s32 $0xFFFF3800  }
0x116: {  	[hbm4b:s9+s3] =	stream.linear.scatter [tilespmem:s8], [sflag:$0x5], $0xC800, $0x38;
	[tilespmem:$0x1A900] =	vst v63  }
0x117: {  	_ =	swait.ge [sflag:s7], $0xC800  }
0x118: {  	[sflag:s7] =	ssyncset.done $0x0  }
0x119: {  	[sflag:s7] =	ssyncadd.s32 $0xFFFF3800  }
0x11a: {  	[tilespmem:s8], [sflag:$0x3] =	stream.indirect.gather [hbm4b:s2+s12], $0x80, s14, s12, $0xb8;
	[tilespmem:$0x1A900] =	vst v63  }
0x11b: {  	_ =	swait.ge [sflag:s13], $0xC800  }
0x11c: {  	[sflag:s13] =	ssyncset.done $0x0  }
0x11d: {  	[sflag:s13] =	ssyncadd.s32 $0xFFFF3800  }
0x11e: {  	[hbm4b:s5+s3] =	stream.linear.scatter [tilespmem:s10], [sflag:$0x4], $0xC800, $0x38;
	[tilespmem:$0x1A900] =	vst v63  }
0x11f: {  	_ =	swait.ge [sflag:s11], $0xC800  }
0x120: {  	[sflag:s11] =	ssyncset.done $0x0  }
0x121: {  	p1 =	sne.s32 s1, $0x1;
	[sflag:s11] =	ssyncadd.s32 $0xFFFF3800  }
0x122: {  	[hbm4b:s4+s3] =	stream.linear.scatter [tilespmem:s8], [sflag:$0x5], $0xC800, $0x38;
	[tilespmem:$0x1A900] =	vst v63  }
.Ltmp2:
0x123: {  	_ =	swait.ge [sflag:s6], $0xC800;
	(pc) =	sbr.rel @p1 .LBB2_2-.Ltmp2, $4  }
0x124: {  	[sflag:s6] =	ssyncset.done $0x0  }
0x125: {  	[sflag:s6] =	ssyncadd.s32 $0xFFFF3800  }
0x126: {  	_ =	swait.ge [sflag:s7], $0xC800  }
0x127: {  	s1 =	sadd.s32 $0xFFFFFFFF, s1;
	s0 =	rddreg [dreg:$0x4];
	[sflag:s7] =	ssyncset.done $0x0  }
.LBB2_3:
0x128: {  	[sflag:s7] =	ssyncadd.s32 @p0 $0xFFFF3800  }
0x129: {  	[tilespmem:s3], [sflag:$0x1] =	stream.strided.gather [hbm4b:s0+s30], $0x1900, s31, s30, $0x38;
	[tilespmem:$0x1A900] =	vst v63  }
0x12a: {  	_ =	swait.ge [sflag:s29], $0x1900  }
0x12b: {  	[sflag:s29] =	ssyncset.done $0x0  }
0x12c: {  	[sflag:s29] =	ssyncadd.s32 $0xFFFFE700  }
0x12d: {  	[tilespmem:s10], [sflag:$0x2] =	stream.indirect.gather [hbm4b:s2+s12], $0x80, s3, s12, $0xb8;
	[tilespmem:$0x1A900] =	vst v63  }
0x12e: {  	_ = 	snop  }
0x12f: {  	[tilespmem:s8], [sflag:$0x3] =	stream.indirect.gather [hbm4b:s2+s12], $0x80, s12, s12, $0xb8;
	[tilespmem:$0x1A900] =	vst v63  }
0x130: {  	_ =	swait.ge [sflag:s13], $0xC800  }
0x131: {  	[sflag:s13] =	ssyncset.done $0x0  }
0x132: {  	s1 =	rddreg [dreg:$0x5];
	[sflag:s13] =	ssyncadd.s32 $0xFFFF3800  }
0x133: {  	[hbm4b:s1+s3] =	stream.linear.scatter [tilespmem:s10], [sflag:$0x4], $0xC800, $0x38;
	[tilespmem:$0x1A900] =	vst v63  }
0x134: {  	_ =	swait.ge [sflag:s6], $0xC800  }
0x135: {  	[sflag:s6] =	ssyncset.done $0x0  }
0x136: {  	[sflag:s6] =	ssyncadd.s32 $0xFFFF3800  }
0x137: {  	[tilespmem:s10], [sflag:$0x2] =	stream.indirect.gather [hbm4b:s2+s12], $0x80, s28, s12, $0xb8;
	[tilespmem:$0x1A900] =	vst v63  }
0x138: {  	_ =	swait.ge [sflag:s11], $0xC800  }
0x139: {  	[sflag:s11] =	ssyncset.done $0x0  }
0x13a: {  	s28 =	rddreg [dreg:$0x6];
	[sflag:s11] =	ssyncadd.s32 $0xFFFF3800  }
0x13b: {  	[hbm4b:s28+s3] =	stream.linear.scatter [tilespmem:s8], [sflag:$0x5], $0xC800, $0x38;
	[tilespmem:$0x1A900] =	vst v63  }
0x13c: {  	_ =	swait.ge [sflag:s7], $0xC800  }
0x13d: {  	[sflag:s7] =	ssyncset.done $0x0  }
0x13e: {  	[sflag:s7] =	ssyncadd.s32 $0xFFFF3800  }
0x13f: {  	[tilespmem:s8], [sflag:$0x3] =	stream.indirect.gather [hbm4b:s2+s12], $0x80, s26, s12, $0xb8;
	[tilespmem:$0x1A900] =	vst v63  }
0x140: {  	_ =	swait.ge [sflag:s13], $0xC800  }
0x141: {  	[sflag:s13] =	ssyncset.done $0x0  }
0x142: {  	s29 =	rddreg [dreg:$0x7];
	[sflag:s13] =	ssyncadd.s32 $0xFFFF3800  }
0x143: {  	[hbm4b:s29+s3] =	stream.linear.scatter [tilespmem:s10], [sflag:$0x4], $0xC800, $0x38;
	[tilespmem:$0x1A900] =	vst v63  }
0x144: {  	_ =	swait.ge [sflag:s6], $0xC800  }
0x145: {  	[sflag:s6] =	ssyncset.done $0x0  }
0x146: {  	[sflag:s6] =	ssyncadd.s32 $0xFFFF3800  }
0x147: {  	[tilespmem:s10], [sflag:$0x2] =	stream.indirect.gather [hbm4b:s2+s12], $0x80, s25, s12, $0xb8;
	[tilespmem:$0x1A900] =	vst v63  }
0x148: {  	_ =	swait.ge [sflag:s11], $0xC800  }
0x149: {  	[sflag:s11] =	ssyncset.done $0x0  }
0x14a: {  	s30 =	rddreg [dreg:$0x8];
	[sflag:s11] =	ssyncadd.s32 $0xFFFF3800  }
0x14b: {  	[hbm4b:s30+s3] =	stream.linear.scatter [tilespmem:s8], [sflag:$0x5], $0xC800, $0x38;
	[tilespmem:$0x1A900] =	vst v63  }
0x14c: {  	_ =	swait.ge [sflag:s7], $0xC800  }
0x14d: {  	[sflag:s7] =	ssyncset.done $0x0  }
0x14e: {  	[sflag:s7] =	ssyncadd.s32 $0xFFFF3800  }
0x14f: {  	[tilespmem:s8], [sflag:$0x3] =	stream.indirect.gather [hbm4b:s2+s12], $0x80, s24, s12, $0xb8;
	[tilespmem:$0x1A900] =	vst v63  }
0x150: {  	_ =	swait.ge [sflag:s13], $0xC800  }
0x151: {  	[sflag:s13] =	ssyncset.done $0x0  }
0x152: {  	s31 =	rddreg [dreg:$0x9];
	[sflag:s13] =	ssyncadd.s32 $0xFFFF3800  }
0x153: {  	[hbm4b:s31+s3] =	stream.linear.scatter [tilespmem:s10], [sflag:$0x4], $0xC800, $0x38;
	[tilespmem:$0x1A900] =	vst v63  }
0x154: {  	_ =	swait.ge [sflag:s6], $0xC800  }
0x155: {  	[sflag:s6] =	ssyncset.done $0x0  }
0x156: {  	[sflag:s6] =	ssyncadd.s32 $0xFFFF3800  }
0x157: {  	[tilespmem:s10], [sflag:$0x2] =	stream.indirect.gather [hbm4b:s2+s12], $0x80, s23, s12, $0xb8;
	[tilespmem:$0x1A900] =	vst v63  }
0x158: {  	_ =	swait.ge [sflag:s11], $0xC800  }
0x159: {  	[sflag:s11] =	ssyncset.done $0x0  }
0x15a: {  	s1 =	rddreg [dreg:$0xa];
	[sflag:s11] =	ssyncadd.s32 $0xFFFF3800  }
0x15b: {  	[hbm4b:s1+s3] =	stream.linear.scatter [tilespmem:s8], [sflag:$0x5], $0xC800, $0x38;
	[tilespmem:$0x1A900] =	vst v63  }
0x15c: {  	_ =	swait.ge [sflag:s7], $0xC800  }
0x15d: {  	[sflag:s7] =	ssyncset.done $0x0  }
0x15e: {  	[sflag:s7] =	ssyncadd.s32 $0xFFFF3800  }
0x15f: {  	[tilespmem:s8], [sflag:$0x3] =	stream.indirect.gather [hbm4b:s2+s12], $0x80, s22, s12, $0xb8;
	[tilespmem:$0x1A900] =	vst v63  }
0x160: {  	_ =	swait.ge [sflag:s13], $0xC800  }
0x161: {  	[sflag:s13] =	ssyncset.done $0x0  }
0x162: {  	s23 =	rddreg [dreg:$0xb];
	[sflag:s13] =	ssyncadd.s32 $0xFFFF3800  }
0x163: {  	[hbm4b:s23+s3] =	stream.linear.scatter [tilespmem:s10], [sflag:$0x4], $0xC800, $0x38;
	[tilespmem:$0x1A900] =	vst v63  }
0x164: {  	_ =	swait.ge [sflag:s6], $0xC800  }
0x165: {  	[sflag:s6] =	ssyncset.done $0x0  }
0x166: {  	[sflag:s6] =	ssyncadd.s32 $0xFFFF3800  }
0x167: {  	[tilespmem:s10], [sflag:$0x2] =	stream.indirect.gather [hbm4b:s2+s12], $0x80, s21, s12, $0xb8;
	[tilespmem:$0x1A900] =	vst v63  }
0x168: {  	_ =	swait.ge [sflag:s11], $0xC800  }
0x169: {  	[sflag:s11] =	ssyncset.done $0x0  }
0x16a: {  	s24 =	rddreg [dreg:$0xc];
	[sflag:s11] =	ssyncadd.s32 $0xFFFF3800  }
0x16b: {  	[hbm4b:s24+s3] =	stream.linear.scatter [tilespmem:s8], [sflag:$0x5], $0xC800, $0x38;
	[tilespmem:$0x1A900] =	vst v63  }
0x16c: {  	_ =	swait.ge [sflag:s7], $0xC800  }
0x16d: {  	[sflag:s7] =	ssyncset.done $0x0  }
0x16e: {  	[sflag:s7] =	ssyncadd.s32 $0xFFFF3800  }
0x16f: {  	[tilespmem:s8], [sflag:$0x3] =	stream.indirect.gather [hbm4b:s2+s12], $0x80, s20, s12, $0xb8;
	[tilespmem:$0x1A900] =	vst v63  }
0x170: {  	_ =	swait.ge [sflag:s13], $0xC800  }
0x171: {  	[sflag:s13] =	ssyncset.done $0x0  }
0x172: {  	s25 =	rddreg [dreg:$0xd];
	[sflag:s13] =	ssyncadd.s32 $0xFFFF3800  }
0x173: {  	[hbm4b:s25+s3] =	stream.linear.scatter [tilespmem:s10], [sflag:$0x4], $0xC800, $0x38;
	[tilespmem:$0x1A900] =	vst v63  }
0x174: {  	_ =	swait.ge [sflag:s6], $0xC800  }
0x175: {  	[sflag:s6] =	ssyncset.done $0x0  }
0x176: {  	[sflag:s6] =	ssyncadd.s32 $0xFFFF3800  }
0x177: {  	[tilespmem:s10], [sflag:$0x2] =	stream.indirect.gather [hbm4b:s2+s12], $0x80, s19, s12, $0xb8;
	[tilespmem:$0x1A900] =	vst v63  }
0x178: {  	_ =	swait.ge [sflag:s11], $0xC800  }
0x179: {  	[sflag:s11] =	ssyncset.done $0x0  }
0x17a: {  	s26 =	rddreg [dreg:$0xe];
	[sflag:s11] =	ssyncadd.s32 $0xFFFF3800  }
0x17b: {  	[hbm4b:s26+s3] =	stream.linear.scatter [tilespmem:s8], [sflag:$0x5], $0xC800, $0x38;
	[tilespmem:$0x1A900] =	vst v63  }
0x17c: {  	_ =	swait.ge [sflag:s7], $0xC800  }
0x17d: {  	[sflag:s7] =	ssyncset.done $0x0  }
0x17e: {  	[sflag:s7] =	ssyncadd.s32 $0xFFFF3800  }
0x17f: {  	[tilespmem:s8], [sflag:$0x3] =	stream.indirect.gather [hbm4b:s2+s12], $0x80, s18, s12, $0xb8;
	[tilespmem:$0x1A900] =	vst v63  }
0x180: {  	_ =	swait.ge [sflag:s13], $0xC800  }
0x181: {  	[sflag:s13] =	ssyncset.done $0x0  }
0x182: {  	s28 =	rddreg [dreg:$0xf];
	[sflag:s13] =	ssyncadd.s32 $0xFFFF3800  }
0x183: {  	[hbm4b:s28+s3] =	stream.linear.scatter [tilespmem:s10], [sflag:$0x4], $0xC800, $0x38;
	[tilespmem:$0x1A900] =	vst v63  }
0x184: {  	_ =	swait.ge [sflag:s6], $0xC800  }
0x185: {  	[sflag:s6] =	ssyncset.done $0x0  }
0x186: {  	[sflag:s6] =	ssyncadd.s32 $0xFFFF3800  }
0x187: {  	[tilespmem:s10], [sflag:$0x2] =	stream.indirect.gather [hbm4b:s2+s12], $0x80, s17, s12, $0xb8;
	[tilespmem:$0x1A900] =	vst v63  }
0x188: {  	_ =	swait.ge [sflag:s11], $0xC800  }
0x189: {  	[sflag:s11] =	ssyncset.done $0x0  }
0x18a: {  	s29 =	rddreg [dreg:$0x10];
	[sflag:s11] =	ssyncadd.s32 $0xFFFF3800  }
0x18b: {  	[hbm4b:s29+s3] =	stream.linear.scatter [tilespmem:s8], [sflag:$0x5], $0xC800, $0x38;
	[tilespmem:$0x1A900] =	vst v63  }
0x18c: {  	_ =	swait.ge [sflag:s7], $0xC800  }
0x18d: {  	[sflag:s7] =	ssyncset.done $0x0  }
0x18e: {  	[sflag:s7] =	ssyncadd.s32 $0xFFFF3800  }
0x18f: {  	[tilespmem:s8], [sflag:$0x3] =	stream.indirect.gather [hbm4b:s2+s12], $0x80, s16, s12, $0xb8;
	[tilespmem:$0x1A900] =	vst v63  }
0x190: {  	_ =	swait.ge [sflag:s13], $0xC800  }
0x191: {  	[sflag:s13] =	ssyncset.done $0x0  }
0x192: {  	s30 =	rddreg [dreg:$0x11];
	[sflag:s13] =	ssyncadd.s32 $0xFFFF3800  }
0x193: {  	[hbm4b:s30+s3] =	stream.linear.scatter [tilespmem:s10], [sflag:$0x4], $0xC800, $0x38;
	[tilespmem:$0x1A900] =	vst v63  }
0x194: {  	_ =	swait.ge [sflag:s6], $0xC800  }
0x195: {  	[sflag:s6] =	ssyncset.done $0x0  }
0x196: {  	[sflag:s6] =	ssyncadd.s32 $0xFFFF3800  }
0x197: {  	[tilespmem:s10], [sflag:$0x2] =	stream.indirect.gather [hbm4b:s2+s12], $0x80, s15, s12, $0xb8;
	[tilespmem:$0x1A900] =	vst v63  }
0x198: {  	_ =	swait.ge [sflag:s11], $0xC800  }
0x199: {  	[sflag:s11] =	ssyncset.done $0x0  }
0x19a: {  	[sflag:s11] =	ssyncadd.s32 $0xFFFF3800  }
0x19b: {  	[hbm4b:s9+s3] =	stream.linear.scatter [tilespmem:s8], [sflag:$0x5], $0xC800, $0x38;
	[tilespmem:$0x1A900] =	vst v63  }
0x19c: {  	_ =	swait.ge [sflag:s7], $0xC800  }
0x19d: {  	[sflag:s7] =	ssyncset.done $0x0  }
0x19e: {  	[sflag:s7] =	ssyncadd.s32 $0xFFFF3800  }
0x19f: {  	[tilespmem:s8], [sflag:$0x3] =	stream.indirect.gather [hbm4b:s2+s12], $0x80, s14, s12, $0xb8;
	[tilespmem:$0x1A900] =	vst v63  }
0x1a0: {  	_ =	swait.ge [sflag:s13], $0xC800  }
0x1a1: {  	[sflag:s13] =	ssyncset.done $0x0  }
0x1a2: {  	[sflag:s13] =	ssyncadd.s32 $0xFFFF3800  }
0x1a3: {  	[hbm4b:s5+s3] =	stream.linear.scatter [tilespmem:s10], [sflag:$0x4], $0xC800, $0x38;
	[tilespmem:$0x1A900] =	vst v63  }
0x1a4: {  	_ =	swait.ge [sflag:s11], $0xC800  }
0x1a5: {  	[sflag:s11] =	ssyncset.done $0x0  }
0x1a6: {  	[sflag:s11] =	ssyncadd.s32 $0xFFFF3800  }
0x1a7: {  	[hbm4b:s4+s3] =	stream.linear.scatter [tilespmem:s8], [sflag:$0x5], $0xC800, $0x38;
	[tilespmem:$0x1A900] =	vst v63  }
0x1a8: {  	_ =	swait.ge [sflag:s6], $0xC800  }
0x1a9: {  	[sflag:s6] =	ssyncset.done $0x0  }
0x1aa: {  	[sflag:s6] =	ssyncadd.s32 $0xFFFF3800  }
0x1ab: {  	_ =	swait.ge [sflag:s7], $0xC800  }
0x1ac: {  	[sflag:s7] =	ssyncset.done $0x0  }
0x1ad: {  	[sflag:s7] =	ssyncadd.s32 $0xFFFF3800  }
0x1ae: {  	_ =	sfence.sel $0x180000  }
0x1af: {  	[bflag:$0x0] =	sbarrier.arrive $0xFFFF  }
0x1b0: {  	_ =	strace $0x90000047  }
0x1b1: {  	s31 =	stileid.u32;
	[bflag:$0x2] =	sbarrier.arrive $0xFFFF  }
0x1b2: {  	p0 =	sne.s32 s31, $0x0;
	s0 =	rddreg [dreg:$0x3]  }
0x1b3: {  	s0 =	sadd.s32 @!p0 $0x100000, s0  }
0x1b4: {  	[sflag:s0] =	ssyncadd.tile.s32 @!p0 $0x1;
	_ =	shalt  }
.Lfunc_end2:
_tile_overlayer_lowered:
.L_overlay_start_2:
0x1b5: {  	(tag) =	ssettag $0x2  }
0x1b6: {  	s0 =	rddreg [dreg:$0x0];
	s2 =	stileid.u32  }
0x1b7: {  	s1 =	rddreg [dreg:$0x1];
	p0 =	sne.s32 s2, $0x0  }
0x1b8: {  	s3 =	rddreg [dreg:$0x2];
	[bflag:$0x3] =	sbarrier.arrive $0xFFFF;
	s2 =	simm.s32 @!p0 $0x1C06  }
0x1b9: {  	[timem:s3], [sflag:s2] =	dma.local @!p0 [hbm:s0], s1  }
0x1ba: {  	s0 =	simm.s32 @!p0 $0x6  }
0x1bb: {  	_ =	swait.ge @!p0 [sflag:s0], s1  }
0x1bc: {  	s1 =	ssub.s32 @!p0 $0x0, s1;
	[sflag:s0] =	ssyncset.done @!p0 $0x0  }
0x1bd: {  	[sflag:s0] =	ssyncadd.s32 @!p0 s1  }
0x1be: {  	[bflag:$0x3] =	sbarrier.arrive $0xFFFF  }
0x1bf: {  	_ =	shalt  }

</sc_bundles>
